<compile_context>
chip_gen: v7x
topology: tpu7x:2x2x1
jax: 0.10.2.dev20260603
libtpu: 0.0.44.dev20260713+nightly
codegen_flags: <defaults>
</compile_context>

<pallas_src>
import functools

import jax
import jax.numpy as jnp
from jax import lax
from jax.experimental import pallas as pl
from jax.experimental.pallas import tpu as pltpu
from jax.experimental.pallas import tpu_sc as plsc

NF = 128
NRBF = 20
CUT = 5.0
_ET = 2000
_NT = 2000
_C = 128
_NSUB = 16
_EPS = 1e-8


def _edge_body(rx, ry, rz, wr, br, out):
    x_ = rx[...]
    y_ = ry[...]
    z_ = rz[...]
    nz = jnp.abs(z_)
    n = lax.broadcasted_iota(jnp.int32, (1, NRBF), 1).astype(jnp.float32) + 1.0
    rbf = jnp.sin(n * (jnp.pi / CUT) * nz) / (nz + _EPS)
    xl = jnp.dot(rbf, wr[...], preferred_element_type=jnp.float32) + br[...]
    w = 0.5 * (jnp.cos(jnp.pi * xl / CUT) + 1.0)
    w = w * jnp.where(xl < CUT, 1.0, 0.0)
    inv = 1.0 / (jnp.sqrt(x_ * x_ + y_ * y_ + z_ * z_) + _EPS)
    p3 = w[:, 2 * NF:]
    out[0] = w[:, :NF]
    out[1] = w[:, NF:2 * NF]
    out[2] = p3 * (x_ * inv)
    out[3] = p3 * (y_ * inv)
    out[4] = p3 * (z_ * inv)


def _edge_payload(rx, ry, rz, Wr, br2):
    E = rx.shape[0]
    return pl.pallas_call(
        _edge_body,
        grid=(E // _ET,),
        in_specs=[
            pl.BlockSpec((_ET, 1), lambda i: (i, 0)),
            pl.BlockSpec((_ET, 1), lambda i: (i, 0)),
            pl.BlockSpec((_ET, 1), lambda i: (i, 0)),
            pl.BlockSpec((NRBF, 3 * NF), lambda i: (0, 0)),
            pl.BlockSpec((1, 3 * NF), lambda i: (0, 0)),
        ],
        out_specs=pl.BlockSpec((5, _ET, NF), lambda i: (0, i, 0)),
        out_shape=jax.ShapeDtypeStruct((5, E, NF), jnp.float32),
    )(rx, ry, rz, Wr, br2)


def _make_sc(N, E):
    chunks = E // _C
    iters = -(-chunks // _NSUB)
    NP = -(-N // (_NSUB * 128)) * (_NSUB * 128)
    rps = NP // _NSUB
    zr = 128
    ncp = rps // zr
    mesh = plsc.VectorSubcoreMesh(core_axis_name="c", subcore_axis_name="s")

    @functools.partial(
        pl.kernel,
        out_type=jax.ShapeDtypeStruct((5 * NP, NF), jnp.float32),
        mesh=mesh,
        scratch_types=[
            pltpu.VMEM((_C,), jnp.int32),
            pltpu.VMEM((_C, NF), jnp.float32),
            pltpu.VMEM((zr, NF), jnp.float32),
            pltpu.VMEM_SHARED((NP, NF), jnp.float32),
        ],
    )
    def sc_k(pay_hbm, js_hbm, out_hbm, idx_v, pay_v, z_v, acc):
        c = lax.axis_index("c")
        sid = lax.axis_index("s")

        def zrow(i, carry):
            for jj in range(NF // 16):
                z_v[i, pl.ds(jj * 16, 16)] = jnp.zeros((16,), jnp.float32)
            return carry

        lax.fori_loop(0, zr, zrow, 0)

        for gi in range(3):
            g = gi + 3 * c
            active = jnp.logical_or(c == 0, gi < 2)

            @pl.when(active)
            def _():
                for t in range(ncp):
                    pltpu.sync_copy(z_v, acc.at[pl.ds(sid * rps + t * zr, zr)])
                plsc.subcore_barrier()

                def chunk(i, carry):
                    k = sid + i * _NSUB

                    @pl.when(k < chunks)
                    def _():
                        base = k * _C
                        pltpu.sync_copy(js_hbm.at[pl.ds(base, _C)], idx_v)
                        pltpu.sync_copy(pay_hbm.at[pl.ds(g * E + base, _C)], pay_v)
                        pltpu.sync_copy(pay_v, acc.at[idx_v], add=True)

                    return carry

                lax.fori_loop(0, iters, chunk, 0)
                plsc.subcore_barrier()
                for t in range(ncp):
                    o = sid * rps + t * zr
                    pltpu.sync_copy(acc.at[pl.ds(o, zr)],
                                    out_hbm.at[pl.ds(g * NP + o, zr)])
                plsc.subcore_barrier()

    return sc_k


def _combine_body(s_r, v3_r, acc_r, w1, b1, w2, b2, dv, ds):
    t = jnp.dot(s_r[...], w1[...], preferred_element_type=jnp.float32) + b1[...]
    h = t * (1.0 / (1.0 + jnp.exp(-t)))
    phi = jnp.dot(h, w2[...], preferred_element_type=jnp.float32) + b2[...]
    p1 = phi[:, :NF]
    p2 = phi[:, NF:2 * NF]
    p3 = phi[:, 2 * NF:]
    ds[...] = p2 * acc_r[1]
    a = p1 * acc_r[0]
    for d in range(3):
        dv[d] = v3_r[d] * a + p3 * acc_r[2 + d]


def _combine(s, v3, acc5, W1, b12, W2, b22):
    N = s.shape[0]
    return pl.pallas_call(
        _combine_body,
        grid=(N // _NT,),
        in_specs=[
            pl.BlockSpec((_NT, NF), lambda i: (i, 0)),
            pl.BlockSpec((3, _NT, NF), lambda i: (0, i, 0)),
            pl.BlockSpec((5, _NT, NF), lambda i: (0, i, 0)),
            pl.BlockSpec((NF, NF), lambda i: (0, 0)),
            pl.BlockSpec((1, NF), lambda i: (0, 0)),
            pl.BlockSpec((NF, 3 * NF), lambda i: (0, 0)),
            pl.BlockSpec((1, 3 * NF), lambda i: (0, 0)),
        ],
        out_specs=[
            pl.BlockSpec((3, _NT, NF), lambda i: (0, i, 0)),
            pl.BlockSpec((_NT, NF), lambda i: (i, 0)),
        ],
        out_shape=[
            jax.ShapeDtypeStruct((3, N, NF), jnp.float32),
            jax.ShapeDtypeStruct((N, NF), jnp.float32),
        ],
    )(s, v3, acc5, W1, b12, W2, b22)


def kernel(v, s, r, W1, b1, W2, b2, Wr, br):
    N = s.shape[0]
    E = r.shape[0]
    js = r[:, 1].astype(jnp.int32)
    rx = r[:, 2:3]
    ry = r[:, 3:4]
    rz = r[:, 4:5]
    NP = -(-N // (_NSUB * 128)) * (_NSUB * 128)
    pay = _edge_payload(rx, ry, rz, Wr, br.reshape(1, -1))
    acc = _make_sc(N, E)(pay.reshape(5 * E, NF), js)
    v3 = jnp.transpose(v, (2, 0, 1))
    dv3, ds = _combine(s, v3, acc.reshape(5, NP, NF), W1,
                       b1.reshape(1, -1), W2, b2.reshape(1, -1))
    return jnp.transpose(dv3, (1, 2, 0)), ds

# --- scband reference (transcript-rebuilt; emitter-appended) ---
"""Pipeline reference for scband-message-83262236000476 (READ-ONLY COPY).

The authoritative reference and input builder live on the scoring server;
editing this copy changes nothing except your own understanding.
"""

import jax, jax.numpy as jnp
import numpy as np

NUM_FEATURES = 128
CUTOFF = 5.0
N_NODES = 10000
N_EDGES = 320000


def rbf(r, cutoff, num_rbf=20):
    # Faithful to original: slices columns 2: of its argument again
    vector_r = r[:, 2:]
    norm_r = jnp.linalg.norm(vector_r, axis=1)[:, None]
    frac = jnp.pi / cutoff
    n = jnp.arange(1, num_rbf + 1, dtype=jnp.float32).reshape(1, num_rbf)
    return jnp.sin(n * frac * norm_r) / (norm_r + 1e-08)


def cosine_cutoff(x, cutoff):
    c = 0.5 * (jnp.cos(jnp.pi * x / cutoff) + 1.0)
    return c * (x < cutoff).astype(jnp.float32)


def setup_inputs(seed: int = 0):
    key = jax.random.key(seed)
    ks = jax.random.split(key, 10)
    v = jax.random.normal(ks[0], (N_NODES, NUM_FEATURES, 3), dtype=jnp.float32)
    s = jax.random.normal(ks[1], (N_NODES, NUM_FEATURES), dtype=jnp.float32)
    idx = jax.random.randint(ks[2], (N_EDGES, 2), 0, N_NODES).astype(jnp.float32)
    vec = jax.random.uniform(ks[3], (N_EDGES, 3), minval=-5.0, maxval=5.0, dtype=jnp.float32)
    r = jnp.concatenate([idx, vec], axis=1)
    W1 = jax.random.normal(ks[4], (128, 128), dtype=jnp.float32) * 0.05
    b1 = jnp.zeros((128,), dtype=jnp.float32)
    W2 = jax.random.normal(ks[5], (128, 384), dtype=jnp.float32) * 0.05
    b2 = jnp.zeros((384,), dtype=jnp.float32)
    Wr = jax.random.normal(ks[6], (20, 384), dtype=jnp.float32) * 0.05
    br = jnp.zeros((384,), dtype=jnp.float32)
    return {"v": v, "s": s, "r": r, "W1": W1, "b1": b1, "W2": W2, "b2": b2, "Wr": Wr, "br": br}


def reference(v, s, r, W1, b1, W2, b2, Wr, br):
    js = r[:, 1].astype(jnp.int32)
    r_vectors = r[:, 2:]
    phi = jax.nn.silu(s @ W1 + b1) @ W2 + b2
    W = cosine_cutoff(rbf(r_vectors, CUTOFF) @ Wr + br, CUTOFF)
    pre_split = phi[js, :] * W
    split_1 = pre_split[:, :NUM_FEATURES]
    split_2 = pre_split[:, NUM_FEATURES:NUM_FEATURES * 2]
    split_3 = pre_split[:, NUM_FEATURES * 2:]
    eps = 1e-08
    left_1 = v[js, :, :] * split_1[:, :, None]
    unit = r_vectors / (jnp.linalg.norm(r_vectors, axis=1)[:, None] + eps)
    right_1 = split_3[:, :, None] * unit[:, None, :]
    left_2 = left_1 + right_1
    delta_v = jnp.zeros_like(v).at[js].add(left_2)
    delta_s = jnp.zeros_like(s).at[js].add(split_2)
    return (delta_v, delta_s)

if __name__ == "__main__":
    import jax
    _d = setup_inputs()
    print(jax.jit(kernel)(*tuple(_d.values())))

</pallas_src>

<mosaic_0001>
#map = affine_map<(d0, d1) -> (0, 0)>
#map1 = affine_map<(d0, d1) -> (0)>
module attributes {stable_mosaic.version = 14 : i64} {
  func.func @sc_k(%arg0: i32, %arg1: i32, %arg2: memref<1600000x128xf32, #tpu.memory_space<hbm>>, %arg3: memref<320000xi32, #tpu.memory_space<hbm>>, %arg4: memref<51200x128xf32, #tpu.memory_space<hbm>>, %arg5: memref<128xi32, #tpu.memory_space<vmem>>, %arg6: memref<128x128xf32, #tpu.memory_space<vmem>>, %arg7: memref<128x128xf32, #tpu.memory_space<vmem>>, %arg8: memref<10240x128xf32, #tpu.memory_space<vmem_shared>>) attributes {dimension_semantics = [#tpu.dimension_semantics<core_parallel>, #tpu.dimension_semantics<subcore_parallel>], iteration_bounds = array<i64: 2, 16>, scalar_prefetch = 0 : i64, scratch_operands = 4 : i64, tpu.core_type = #tpu.core_type<sc_vector_subcore>, window_params = [{transform_indices = #map}, {transform_indices = #map1}, {transform_indices = #map}]} {
    %scan3A = arith.constant 0 : i32
    %scan3A_0 = arith.constant 0 : i32
    %scan3A_1 = arith.constant 128 : i32
    %scan3A_2 = arith.addi %scan3A_0, %scan3A_1 : i32
    %scan3A_3 = arith.constant 1 : i32
    scf.for %scan3A_32 = %scan3A_0 to %scan3A_2 step %scan3A_3  : i32 {
      %broadcast_in_dim3A = arith.constant 0.000000e+00 : f32
      %broadcast_in_dim3A_33 = vector.broadcast %broadcast_in_dim3A : f32 to vector<16xf32>
      %swap3A = arith.index_cast %scan3A_32 : i32 to index
      %swap3A_34 = arith.constant 0 : index
      %swap3A_35 = tpu.vector_load %arg7[%swap3A, %swap3A_34] {strides = array<i32>} : memref<128x128xf32, #tpu.memory_space<vmem>>, vector<1x16xf32>,
      %swap3A_36 = vector.shape_cast %swap3A_35 : vector<1x16xf32> to vector<16xf32>
      %swap3A_37 = vector.shape_cast %broadcast_in_dim3A_33 : vector<16xf32> to vector<1x16xf32>
      tpu.vector_store %arg7[%swap3A, %swap3A_34], %swap3A_37 {strides = array<i32>} : memref<128x128xf32, #tpu.memory_space<vmem>>, vector<1x16xf32>,
      %broadcast_in_dim3A_38 = arith.constant 0.000000e+00 : f32
      %broadcast_in_dim3A_39 = vector.broadcast %broadcast_in_dim3A_38 : f32 to vector<16xf32>
      %swap3A_40 = arith.index_cast %scan3A_32 : i32 to index
      %swap3A_41 = arith.constant 16 : index
      %swap3A_42 = tpu.vector_load %arg7[%swap3A_40, %swap3A_41] {strides = array<i32>} : memref<128x128xf32, #tpu.memory_space<vmem>>, vector<1x16xf32>,
      %swap3A_43 = vector.shape_cast %swap3A_42 : vector<1x16xf32> to vector<16xf32>
      %swap3A_44 = vector.shape_cast %broadcast_in_dim3A_39 : vector<16xf32> to vector<1x16xf32>
      tpu.vector_store %arg7[%swap3A_40, %swap3A_41], %swap3A_44 {strides = array<i32>} : memref<128x128xf32, #tpu.memory_space<vmem>>, vector<1x16xf32>,
      %broadcast_in_dim3A_45 = arith.constant 0.000000e+00 : f32
      %broadcast_in_dim3A_46 = vector.broadcast %broadcast_in_dim3A_45 : f32 to vector<16xf32>
      %swap3A_47 = arith.index_cast %scan3A_32 : i32 to index
      %swap3A_48 = arith.constant 32 : index
      %swap3A_49 = tpu.vector_load %arg7[%swap3A_47, %swap3A_48] {strides = array<i32>} : memref<128x128xf32, #tpu.memory_space<vmem>>, vector<1x16xf32>,
      %swap3A_50 = vector.shape_cast %swap3A_49 : vector<1x16xf32> to vector<16xf32>
      %swap3A_51 = vector.shape_cast %broadcast_in_dim3A_46 : vector<16xf32> to vector<1x16xf32>
      tpu.vector_store %arg7[%swap3A_47, %swap3A_48], %swap3A_51 {strides = array<i32>} : memref<128x128xf32, #tpu.memory_space<vmem>>, vector<1x16xf32>,
      %broadcast_in_dim3A_52 = arith.constant 0.000000e+00 : f32
      %broadcast_in_dim3A_53 = vector.broadcast %broadcast_in_dim3A_52 : f32 to vector<16xf32>
      %swap3A_54 = arith.index_cast %scan3A_32 : i32 to index
      %swap3A_55 = arith.constant 48 : index
      %swap3A_56 = tpu.vector_load %arg7[%swap3A_54, %swap3A_55] {strides = array<i32>} : memref<128x128xf32, #tpu.memory_space<vmem>>, vector<1x16xf32>,
      %swap3A_57 = vector.shape_cast %swap3A_56 : vector<1x16xf32> to vector<16xf32>
      %swap3A_58 = vector.shape_cast %broadcast_in_dim3A_53 : vector<16xf32> to vector<1x16xf32>
      tpu.vector_store %arg7[%swap3A_54, %swap3A_55], %swap3A_58 {strides = array<i32>} : memref<128x128xf32, #tpu.memory_space<vmem>>, vector<1x16xf32>,
      %broadcast_in_dim3A_59 = arith.constant 0.000000e+00 : f32
      %broadcast_in_dim3A_60 = vector.broadcast %broadcast_in_dim3A_59 : f32 to vector<16xf32>
      %swap3A_61 = arith.index_cast %scan3A_32 : i32 to index
      %swap3A_62 = arith.constant 64 : index
      %swap3A_63 = tpu.vector_load %arg7[%swap3A_61, %swap3A_62] {strides = array<i32>} : memref<128x128xf32, #tpu.memory_space<vmem>>, vector<1x16xf32>,
      %swap3A_64 = vector.shape_cast %swap3A_63 : vector<1x16xf32> to vector<16xf32>
      %swap3A_65 = vector.shape_cast %broadcast_in_dim3A_60 : vector<16xf32> to vector<1x16xf32>
      tpu.vector_store %arg7[%swap3A_61, %swap3A_62], %swap3A_65 {strides = array<i32>} : memref<128x128xf32, #tpu.memory_space<vmem>>, vector<1x16xf32>,
      %broadcast_in_dim3A_66 = arith.constant 0.000000e+00 : f32
      %broadcast_in_dim3A_67 = vector.broadcast %broadcast_in_dim3A_66 : f32 to vector<16xf32>
      %swap3A_68 = arith.index_cast %scan3A_32 : i32 to index
      %swap3A_69 = arith.constant 80 : index
      %swap3A_70 = tpu.vector_load %arg7[%swap3A_68, %swap3A_69] {strides = array<i32>} : memref<128x128xf32, #tpu.memory_space<vmem>>, vector<1x16xf32>,
      %swap3A_71 = vector.shape_cast %swap3A_70 : vector<1x16xf32> to vector<16xf32>
      %swap3A_72 = vector.shape_cast %broadcast_in_dim3A_67 : vector<16xf32> to vector<1x16xf32>
      tpu.vector_store %arg7[%swap3A_68, %swap3A_69], %swap3A_72 {strides = array<i32>} : memref<128x128xf32, #tpu.memory_space<vmem>>, vector<1x16xf32>,
      %broadcast_in_dim3A_73 = arith.constant 0.000000e+00 : f32
      %broadcast_in_dim3A_74 = vector.broadcast %broadcast_in_dim3A_73 : f32 to vector<16xf32>
      %swap3A_75 = arith.index_cast %scan3A_32 : i32 to index
      %swap3A_76 = arith.constant 96 : index
      %swap3A_77 = tpu.vector_load %arg7[%swap3A_75, %swap3A_76] {strides = array<i32>} : memref<128x128xf32, #tpu.memory_space<vmem>>, vector<1x16xf32>,
      %swap3A_78 = vector.shape_cast %swap3A_77 : vector<1x16xf32> to vector<16xf32>
      %swap3A_79 = vector.shape_cast %broadcast_in_dim3A_74 : vector<16xf32> to vector<1x16xf32>
      tpu.vector_store %arg7[%swap3A_75, %swap3A_76], %swap3A_79 {strides = array<i32>} : memref<128x128xf32, #tpu.memory_space<vmem>>, vector<1x16xf32>,
      %broadcast_in_dim3A_80 = arith.constant 0.000000e+00 : f32
      %broadcast_in_dim3A_81 = vector.broadcast %broadcast_in_dim3A_80 : f32 to vector<16xf32>
      %swap3A_82 = arith.index_cast %scan3A_32 : i32 to index
      %swap3A_83 = arith.constant 112 : index
      %swap3A_84 = tpu.vector_load %arg7[%swap3A_82, %swap3A_83] {strides = array<i32>} : memref<128x128xf32, #tpu.memory_space<vmem>>, vector<1x16xf32>,
      %swap3A_85 = vector.shape_cast %swap3A_84 : vector<1x16xf32> to vector<16xf32>
      %swap3A_86 = vector.shape_cast %broadcast_in_dim3A_81 : vector<16xf32> to vector<1x16xf32>
      tpu.vector_store %arg7[%swap3A_82, %swap3A_83], %swap3A_86 {strides = array<i32>} : memref<128x128xf32, #tpu.memory_space<vmem>>, vector<1x16xf32>,
    }
    %scan3A_4 = arith.constant 128 : i32
    %mul3A = arith.constant 3 : i32
    %mul3A_5 = arith.muli %mul3A, %arg0 : i32
    %add3A = arith.constant 0 : i32
    %add3A_6 = arith.addi %add3A, %mul3A_5 : i32
    %eq3A = arith.constant 0 : i32
    %eq3A_7 = arith.cmpi eq, %arg0, %eq3A : i32
    %or3A = arith.constant true
    %or3A_8 = arith.ori %eq3A_7, %or3A : i1
    %convert_element_type3A = arith.extui %or3A_8 : i1 to i32
    %cond3A = arith.constant 0 : i32
    %cond3A_9 = arith.cmpi ne, %convert_element_type3A, %cond3A : i32
    scf.if %cond3A_9 {
      %mul3A_32 = arith.constant 640 : i32
      %mul3A_33 = arith.muli %arg1, %mul3A_32 : i32
      %add3A_34 = arith.constant 0 : i32
      %add3A_35 = arith.addi %mul3A_33, %add3A_34 : i32
      "tpu.region"() ({
        %run_scoped3A = tpu.sem_alloc : memref<!tpu.dma_semaphore, #tpu.memory_space<semaphore_mem>>
        %dma_start3A = arith.constant 0 : i32
        %dma_start3A_95 = tpu.memref_slice %arg8[%add3A_35, %dma_start3A] : memref<10240x128xf32, #tpu.memory_space<vmem_shared>> -> memref<128x128xf32, #tpu.memory_space<vmem_shared>>
        %dma_start3A_96 = arith.constant 0 : i32
        %dma_start3A_97 = tpu.memref_slice %arg8[%add3A_35, %dma_start3A_96] : memref<10240x128xf32, #tpu.memory_space<vmem_shared>> -> memref<128x128xf32, #tpu.memory_space<vmem_shared>>
        tpu.enqueue_dma source(%arg7 : memref<128x128xf32, #tpu.memory_space<vmem>>) target(%dma_start3A_97 : memref<128x128xf32, #tpu.memory_space<vmem_shared>>) target_semaphore(%run_scoped3A : memref<!tpu.dma_semaphore, #tpu.memory_space<semaphore_mem>>)
        %dma_wait3A = arith.constant 0 : i32
        %dma_wait3A_98 = tpu.memref_slice %arg8[%add3A_35, %dma_wait3A] : memref<10240x128xf32, #tpu.memory_space<vmem_shared>> -> memref<128x128xf32, #tpu.memory_space<vmem_shared>>
        %dma_wait3A_99 = arith.constant 0 : i32
        %dma_wait3A_100 = tpu.memref_slice %arg8[%add3A_35, %dma_wait3A_99] : memref<10240x128xf32, #tpu.memory_space<vmem_shared>> -> memref<128x128xf32, #tpu.memory_space<vmem_shared>>
        tpu.wait_dma2 semaphore(%run_scoped3A : memref<!tpu.dma_semaphore, #tpu.memory_space<semaphore_mem>>) src(%arg7 : memref<128x128xf32, #tpu.memory_space<vmem>>) dst(%dma_wait3A_100 : memref<128x128xf32, #tpu.memory_space<vmem_shared>>)
        tpu.yield
      }) : () -> ()
      %mul3A_36 = arith.constant 640 : i32
      %mul3A_37 = arith.muli %arg1, %mul3A_36 : i32
      %add3A_38 = arith.constant 128 : i32
      %add3A_39 = arith.addi %mul3A_37, %add3A_38 : i32
      "tpu.region"() ({
        %run_scoped3A = tpu.sem_alloc : memref<!tpu.dma_semaphore, #tpu.memory_space<semaphore_mem>>
        %dma_start3A = arith.constant 0 : i32
        %dma_start3A_95 = tpu.memref_slice %arg8[%add3A_39, %dma_start3A] : memref<10240x128xf32, #tpu.memory_space<vmem_shared>> -> memref<128x128xf32, #tpu.memory_space<vmem_shared>>
        %dma_start3A_96 = arith.constant 0 : i32
        %dma_start3A_97 = tpu.memref_slice %arg8[%add3A_39, %dma_start3A_96] : memref<10240x128xf32, #tpu.memory_space<vmem_shared>> -> memref<128x128xf32, #tpu.memory_space<vmem_shared>>
        tpu.enqueue_dma source(%arg7 : memref<128x128xf32, #tpu.memory_space<vmem>>) target(%dma_start3A_97 : memref<128x128xf32, #tpu.memory_space<vmem_shared>>) target_semaphore(%run_scoped3A : memref<!tpu.dma_semaphore, #tpu.memory_space<semaphore_mem>>)
        %dma_wait3A = arith.constant 0 : i32
        %dma_wait3A_98 = tpu.memref_slice %arg8[%add3A_39, %dma_wait3A] : memref<10240x128xf32, #tpu.memory_space<vmem_shared>> -> memref<128x128xf32, #tpu.memory_space<vmem_shared>>
        %dma_wait3A_99 = arith.constant 0 : i32
        %dma_wait3A_100 = tpu.memref_slice %arg8[%add3A_39, %dma_wait3A_99] : memref<10240x128xf32, #tpu.memory_space<vmem_shared>> -> memref<128x128xf32, #tpu.memory_space<vmem_shared>>
        tpu.wait_dma2 semaphore(%run_scoped3A : memref<!tpu.dma_semaphore, #tpu.memory_space<semaphore_mem>>) src(%arg7 : memref<128x128xf32, #tpu.memory_space<vmem>>) dst(%dma_wait3A_100 : memref<128x128xf32, #tpu.memory_space<vmem_shared>>)
        tpu.yield
      }) : () -> ()
      %mul3A_40 = arith.constant 640 : i32
      %mul3A_41 = arith.muli %arg1, %mul3A_40 : i32
      %add3A_42 = arith.constant 256 : i32
      %add3A_43 = arith.addi %mul3A_41, %add3A_42 : i32
      "tpu.region"() ({
        %run_scoped3A = tpu.sem_alloc : memref<!tpu.dma_semaphore, #tpu.memory_space<semaphore_mem>>
        %dma_start3A = arith.constant 0 : i32
        %dma_start3A_95 = tpu.memref_slice %arg8[%add3A_43, %dma_start3A] : memref<10240x128xf32, #tpu.memory_space<vmem_shared>> -> memref<128x128xf32, #tpu.memory_space<vmem_shared>>
        %dma_start3A_96 = arith.constant 0 : i32
        %dma_start3A_97 = tpu.memref_slice %arg8[%add3A_43, %dma_start3A_96] : memref<10240x128xf32, #tpu.memory_space<vmem_shared>> -> memref<128x128xf32, #tpu.memory_space<vmem_shared>>
        tpu.enqueue_dma source(%arg7 : memref<128x128xf32, #tpu.memory_space<vmem>>) target(%dma_start3A_97 : memref<128x128xf32, #tpu.memory_space<vmem_shared>>) target_semaphore(%run_scoped3A : memref<!tpu.dma_semaphore, #tpu.memory_space<semaphore_mem>>)
        %dma_wait3A = arith.constant 0 : i32
        %dma_wait3A_98 = tpu.memref_slice %arg8[%add3A_43, %dma_wait3A] : memref<10240x128xf32, #tpu.memory_space<vmem_shared>> -> memref<128x128xf32, #tpu.memory_space<vmem_shared>>
        %dma_wait3A_99 = arith.constant 0 : i32
        %dma_wait3A_100 = tpu.memref_slice %arg8[%add3A_43, %dma_wait3A_99] : memref<10240x128xf32, #tpu.memory_space<vmem_shared>> -> memref<128x128xf32, #tpu.memory_space<vmem_shared>>
        tpu.wait_dma2 semaphore(%run_scoped3A : memref<!tpu.dma_semaphore, #tpu.memory_space<semaphore_mem>>) src(%arg7 : memref<128x128xf32, #tpu.memory_space<vmem>>) dst(%dma_wait3A_100 : memref<128x128xf32, #tpu.memory_space<vmem_shared>>)
        tpu.yield
      }) : () -> ()
      %mul3A_44 = arith.constant 640 : i32
      %mul3A_45 = arith.muli %arg1, %mul3A_44 : i32
      %add3A_46 = arith.constant 384 : i32
      %add3A_47 = arith.addi %mul3A_45, %add3A_46 : i32
      "tpu.region"() ({
        %run_scoped3A = tpu.sem_alloc : memref<!tpu.dma_semaphore, #tpu.memory_space<semaphore_mem>>
        %dma_start3A = arith.constant 0 : i32
        %dma_start3A_95 = tpu.memref_slice %arg8[%add3A_47, %dma_start3A] : memref<10240x128xf32, #tpu.memory_space<vmem_shared>> -> memref<128x128xf32, #tpu.memory_space<vmem_shared>>
        %dma_start3A_96 = arith.constant 0 : i32
        %dma_start3A_97 = tpu.memref_slice %arg8[%add3A_47, %dma_start3A_96] : memref<10240x128xf32, #tpu.memory_space<vmem_shared>> -> memref<128x128xf32, #tpu.memory_space<vmem_shared>>
        tpu.enqueue_dma source(%arg7 : memref<128x128xf32, #tpu.memory_space<vmem>>) target(%dma_start3A_97 : memref<128x128xf32, #tpu.memory_space<vmem_shared>>) target_semaphore(%run_scoped3A : memref<!tpu.dma_semaphore, #tpu.memory_space<semaphore_mem>>)
        %dma_wait3A = arith.constant 0 : i32
        %dma_wait3A_98 = tpu.memref_slice %arg8[%add3A_47, %dma_wait3A] : memref<10240x128xf32, #tpu.memory_space<vmem_shared>> -> memref<128x128xf32, #tpu.memory_space<vmem_shared>>
        %dma_wait3A_99 = arith.constant 0 : i32
        %dma_wait3A_100 = tpu.memref_slice %arg8[%add3A_47, %dma_wait3A_99] : memref<10240x128xf32, #tpu.memory_space<vmem_shared>> -> memref<128x128xf32, #tpu.memory_space<vmem_shared>>
        tpu.wait_dma2 semaphore(%run_scoped3A : memref<!tpu.dma_semaphore, #tpu.memory_space<semaphore_mem>>) src(%arg7 : memref<128x128xf32, #tpu.memory_space<vmem>>) dst(%dma_wait3A_100 : memref<128x128xf32, #tpu.memory_space<vmem_shared>>)
        tpu.yield
      }) : () -> ()
      %mul3A_48 = arith.constant 640 : i32
      %mul3A_49 = arith.muli %arg1, %mul3A_48 : i32
      %add3A_50 = arith.constant 512 : i32
      %add3A_51 = arith.addi %mul3A_49, %add3A_50 : i32
      "tpu.region"() ({
        %run_scoped3A = tpu.sem_alloc : memref<!tpu.dma_semaphore, #tpu.memory_space<semaphore_mem>>
        %dma_start3A = arith.constant 0 : i32
        %dma_start3A_95 = tpu.memref_slice %arg8[%add3A_51, %dma_start3A] : memref<10240x128xf32, #tpu.memory_space<vmem_shared>> -> memref<128x128xf32, #tpu.memory_space<vmem_shared>>
        %dma_start3A_96 = arith.constant 0 : i32
        %dma_start3A_97 = tpu.memref_slice %arg8[%add3A_51, %dma_start3A_96] : memref<10240x128xf32, #tpu.memory_space<vmem_shared>> -> memref<128x128xf32, #tpu.memory_space<vmem_shared>>
        tpu.enqueue_dma source(%arg7 : memref<128x128xf32, #tpu.memory_space<vmem>>) target(%dma_start3A_97 : memref<128x128xf32, #tpu.memory_space<vmem_shared>>) target_semaphore(%run_scoped3A : memref<!tpu.dma_semaphore, #tpu.memory_space<semaphore_mem>>)
        %dma_wait3A = arith.constant 0 : i32
        %dma_wait3A_98 = tpu.memref_slice %arg8[%add3A_51, %dma_wait3A] : memref<10240x128xf32, #tpu.memory_space<vmem_shared>> -> memref<128x128xf32, #tpu.memory_space<vmem_shared>>
        %dma_wait3A_99 = arith.constant 0 : i32
        %dma_wait3A_100 = tpu.memref_slice %arg8[%add3A_51, %dma_wait3A_99] : memref<10240x128xf32, #tpu.memory_space<vmem_shared>> -> memref<128x128xf32, #tpu.memory_space<vmem_shared>>
        tpu.wait_dma2 semaphore(%run_scoped3A : memref<!tpu.dma_semaphore, #tpu.memory_space<semaphore_mem>>) src(%arg7 : memref<128x128xf32, #tpu.memory_space<vmem>>) dst(%dma_wait3A_100 : memref<128x128xf32, #tpu.memory_space<vmem_shared>>)
        tpu.yield
      }) : () -> ()
      %barrier3A = arith.constant 0 : index
      tpu.barrier barrier_id(%barrier3A)
      %scan3A_52 = arith.constant 0 : i32
      %scan3A_53 = arith.constant 0 : i32
      %scan3A_54 = arith.constant 157 : i32
      %scan3A_55 = arith.addi %scan3A_53, %scan3A_54 : i32
      %scan3A_56 = arith.constant 1 : i32
      scf.for %scan3A_95 = %scan3A_53 to %scan3A_55 step %scan3A_56  : i32 {
        %mul3A_96 = arith.constant 16 : i32
        %mul3A_97 = arith.muli %scan3A_95, %mul3A_96 : i32
        %add3A_98 = arith.addi %arg1, %mul3A_97 : i32
        %lt3A = arith.constant 2500 : i32
        %lt3A_99 = arith.cmpi slt, %add3A_98, %lt3A : i32
        %convert_element_type3A_100 = arith.extui %lt3A_99 : i1 to i32
        %cond3A_101 = arith.constant 0 : i32
        %cond3A_102 = arith.cmpi ne, %convert_element_type3A_100, %cond3A_101 : i32
        scf.if %cond3A_102 {
          %mul3A_103 = arith.constant 128 : i32
          %mul3A_104 = arith.muli %add3A_98, %mul3A_103 : i32
          "tpu.region"() ({
            %run_scoped3A = tpu.sem_alloc : memref<!tpu.dma_semaphore, #tpu.memory_space<semaphore_mem>>
            %dma_start3A = tpu.memref_slice %arg3[%mul3A_104] : memref<320000xi32, #tpu.memory_space<hbm>> -> memref<128xi32, #tpu.memory_space<hbm>>
            %dma_start3A_108 = tpu.memref_slice %arg3[%mul3A_104] : memref<320000xi32, #tpu.memory_space<hbm>> -> memref<128xi32, #tpu.memory_space<hbm>>
            tpu.enqueue_dma source(%dma_start3A_108 : memref<128xi32, #tpu.memory_space<hbm>>) target(%arg5 : memref<128xi32, #tpu.memory_space<vmem>>) target_semaphore(%run_scoped3A : memref<!tpu.dma_semaphore, #tpu.memory_space<semaphore_mem>>)
            %dma_wait3A = tpu.memref_slice %arg3[%mul3A_104] : memref<320000xi32, #tpu.memory_space<hbm>> -> memref<128xi32, #tpu.memory_space<hbm>>
            %dma_wait3A_109 = tpu.memref_slice %arg3[%mul3A_104] : memref<320000xi32, #tpu.memory_space<hbm>> -> memref<128xi32, #tpu.memory_space<hbm>>
            tpu.wait_dma2 semaphore(%run_scoped3A : memref<!tpu.dma_semaphore, #tpu.memory_space<semaphore_mem>>) src(%dma_wait3A_109 : memref<128xi32, #tpu.memory_space<hbm>>) dst(%arg5 : memref<128xi32, #tpu.memory_space<vmem>>)
            tpu.yield
          }) : () -> ()
          %mul3A_105 = arith.constant 320000 : i32
          %mul3A_106 = arith.muli %add3A_6, %mul3A_105 : i32
          %add3A_107 = arith.addi %mul3A_106, %mul3A_104 : i32
          "tpu.region"() ({
            %run_scoped3A = tpu.sem_alloc : memref<!tpu.dma_semaphore, #tpu.memory_space<semaphore_mem>>
            %dma_start3A = arith.constant 0 : i32
            %dma_start3A_108 = tpu.memref_slice %arg2[%add3A_107, %dma_start3A] : memref<1600000x128xf32, #tpu.memory_space<hbm>> -> memref<128x128xf32, #tpu.memory_space<hbm>>
            %dma_start3A_109 = arith.constant 0 : i32
            %dma_start3A_110 = tpu.memref_slice %arg2[%add3A_107, %dma_start3A_109] : memref<1600000x128xf32, #tpu.memory_space<hbm>> -> memref<128x128xf32, #tpu.memory_space<hbm>>
            tpu.enqueue_dma source(%dma_start3A_110 : memref<128x128xf32, #tpu.memory_space<hbm>>) target(%arg6 : memref<128x128xf32, #tpu.memory_space<vmem>>) target_semaphore(%run_scoped3A : memref<!tpu.dma_semaphore, #tpu.memory_space<semaphore_mem>>)
            %dma_wait3A = arith.constant 0 : i32
            %dma_wait3A_111 = tpu.memref_slice %arg2[%add3A_107, %dma_wait3A] : memref<1600000x128xf32, #tpu.memory_space<hbm>> -> memref<128x128xf32, #tpu.memory_space<hbm>>
            %dma_wait3A_112 = arith.constant 0 : i32
            %dma_wait3A_113 = tpu.memref_slice %arg2[%add3A_107, %dma_wait3A_112] : memref<1600000x128xf32, #tpu.memory_space<hbm>> -> memref<128x128xf32, #tpu.memory_space<hbm>>
            tpu.wait_dma2 semaphore(%run_scoped3A : memref<!tpu.dma_semaphore, #tpu.memory_space<semaphore_mem>>) src(%dma_wait3A_113 : memref<128x128xf32, #tpu.memory_space<hbm>>) dst(%arg6 : memref<128x128xf32, #tpu.memory_space<vmem>>)
            tpu.yield
          }) : () -> ()
          "tpu.region"() ({
            %run_scoped3A = tpu.sem_alloc : memref<!tpu.dma_semaphore, #tpu.memory_space<semaphore_mem>>
            %dma_start3A = arith.constant 0 : i32
            %dma_start3A_108 = arith.constant 0 : i32
            %dma_start3A_109 = tpu.memref_slice %arg8[%dma_start3A, %dma_start3A_108] : memref<10240x128xf32, #tpu.memory_space<vmem_shared>> -> memref<10240x128xf32, #tpu.memory_space<vmem_shared>>
            tpu.enqueue_indirect_dma source(%arg6 : memref<128x128xf32, #tpu.memory_space<vmem>>) target(%dma_start3A_109 : memref<10240x128xf32, #tpu.memory_space<vmem_shared>>) offsets(%arg5 : memref<128xi32, #tpu.memory_space<vmem>>) semaphore(%run_scoped3A : memref<!tpu.dma_semaphore, #tpu.memory_space<semaphore_mem>>) {add = true}
            %dma_wait3A = arith.constant 0 : i32
            %dma_wait3A_110 = arith.constant 0 : i32
            %dma_wait3A_111 = tpu.memref_slice %arg8[%dma_wait3A, %dma_wait3A_110] : memref<10240x128xf32, #tpu.memory_space<vmem_shared>> -> memref<10240x128xf32, #tpu.memory_space<vmem_shared>>
            tpu.wait_indirect_dma semaphore(%run_scoped3A : memref<!tpu.dma_semaphore, #tpu.memory_space<semaphore_mem>>) src(%arg6 : memref<128x128xf32, #tpu.memory_space<vmem>>) dst(%dma_wait3A_111 : memref<10240x128xf32, #tpu.memory_space<vmem_shared>>)
            tpu.yield
          }) : () -> ()
        } else {
        }
      }
      %scan3A_57 = arith.constant 157 : i32
      %barrier3A_58 = arith.constant 0 : index
      tpu.barrier barrier_id(%barrier3A_58)
      %mul3A_59 = arith.constant 640 : i32
      %mul3A_60 = arith.muli %arg1, %mul3A_59 : i32
      %add3A_61 = arith.constant 0 : i32
      %add3A_62 = arith.addi %mul3A_60, %add3A_61 : i32
      %mul3A_63 = arith.constant 10240 : i32
      %mul3A_64 = arith.muli %add3A_6, %mul3A_63 : i32
      %add3A_65 = arith.addi %mul3A_64, %add3A_62 : i32
      "tpu.region"() ({
        %run_scoped3A = tpu.sem_alloc : memref<!tpu.dma_semaphore, #tpu.memory_space<semaphore_mem>>
        %dma_start3A = arith.constant 0 : i32
        %dma_start3A_95 = tpu.memref_slice %arg4[%add3A_65, %dma_start3A] : memref<51200x128xf32, #tpu.memory_space<hbm>> -> memref<128x128xf32, #tpu.memory_space<hbm>>
        %dma_start3A_96 = arith.constant 0 : i32
        %dma_start3A_97 = tpu.memref_slice %arg8[%add3A_62, %dma_start3A_96] : memref<10240x128xf32, #tpu.memory_space<vmem_shared>> -> memref<128x128xf32, #tpu.memory_space<vmem_shared>>
        tpu.enqueue_dma source(%dma_start3A_97 : memref<128x128xf32, #tpu.memory_space<vmem_shared>>) target(%dma_start3A_95 : memref<128x128xf32, #tpu.memory_space<hbm>>) target_semaphore(%run_scoped3A : memref<!tpu.dma_semaphore, #tpu.memory_space<semaphore_mem>>)
        %dma_wait3A = arith.constant 0 : i32
        %dma_wait3A_98 = tpu.memref_slice %arg4[%add3A_65, %dma_wait3A] : memref<51200x128xf32, #tpu.memory_space<hbm>> -> memref<128x128xf32, #tpu.memory_space<hbm>>
        %dma_wait3A_99 = arith.constant 0 : i32
        %dma_wait3A_100 = tpu.memref_slice %arg8[%add3A_62, %dma_wait3A_99] : memref<10240x128xf32, #tpu.memory_space<vmem_shared>> -> memref<128x128xf32, #tpu.memory_space<vmem_shared>>
        tpu.wait_dma2 semaphore(%run_scoped3A : memref<!tpu.dma_semaphore, #tpu.memory_space<semaphore_mem>>) src(%dma_wait3A_100 : memref<128x128xf32, #tpu.memory_space<vmem_shared>>) dst(%dma_wait3A_98 : memref<128x128xf32, #tpu.memory_space<hbm>>)
        tpu.yield
      }) : () -> ()
      %mul3A_66 = arith.constant 640 : i32
      %mul3A_67 = arith.muli %arg1, %mul3A_66 : i32
      %add3A_68 = arith.constant 128 : i32
      %add3A_69 = arith.addi %mul3A_67, %add3A_68 : i32
      %mul3A_70 = arith.constant 10240 : i32
      %mul3A_71 = arith.muli %add3A_6, %mul3A_70 : i32
      %add3A_72 = arith.addi %mul3A_71, %add3A_69 : i32
      "tpu.region"() ({
        %run_scoped3A = tpu.sem_alloc : memref<!tpu.dma_semaphore, #tpu.memory_space<semaphore_mem>>
        %dma_start3A = arith.constant 0 : i32
        %dma_start3A_95 = tpu.memref_slice %arg4[%add3A_72, %dma_start3A] : memref<51200x128xf32, #tpu.memory_space<hbm>> -> memref<128x128xf32, #tpu.memory_space<hbm>>
        %dma_start3A_96 = arith.constant 0 : i32
        %dma_start3A_97 = tpu.memref_slice %arg8[%add3A_69, %dma_start3A_96] : memref<10240x128xf32, #tpu.memory_space<vmem_shared>> -> memref<128x128xf32, #tpu.memory_space<vmem_shared>>
        tpu.enqueue_dma source(%dma_start3A_97 : memref<128x128xf32, #tpu.memory_space<vmem_shared>>) target(%dma_start3A_95 : memref<128x128xf32, #tpu.memory_space<hbm>>) target_semaphore(%run_scoped3A : memref<!tpu.dma_semaphore, #tpu.memory_space<semaphore_mem>>)
        %dma_wait3A = arith.constant 0 : i32
        %dma_wait3A_98 = tpu.memref_slice %arg4[%add3A_72, %dma_wait3A] : memref<51200x128xf32, #tpu.memory_space<hbm>> -> memref<128x128xf32, #tpu.memory_space<hbm>>
        %dma_wait3A_99 = arith.constant 0 : i32
        %dma_wait3A_100 = tpu.memref_slice %arg8[%add3A_69, %dma_wait3A_99] : memref<10240x128xf32, #tpu.memory_space<vmem_shared>> -> memref<128x128xf32, #tpu.memory_space<vmem_shared>>
        tpu.wait_dma2 semaphore(%run_scoped3A : memref<!tpu.dma_semaphore, #tpu.memory_space<semaphore_mem>>) src(%dma_wait3A_100 : memref<128x128xf32, #tpu.memory_space<vmem_shared>>) dst(%dma_wait3A_98 : memref<128x128xf32, #tpu.memory_space<hbm>>)
        tpu.yield
      }) : () -> ()
      %mul3A_73 = arith.constant 640 : i32
      %mul3A_74 = arith.muli %arg1, %mul3A_73 : i32
      %add3A_75 = arith.constant 256 : i32
      %add3A_76 = arith.addi %mul3A_74, %add3A_75 : i32
      %mul3A_77 = arith.constant 10240 : i32
      %mul3A_78 = arith.muli %add3A_6, %mul3A_77 : i32
      %add3A_79 = arith.addi %mul3A_78, %add3A_76 : i32
      "tpu.region"() ({
        %run_scoped3A = tpu.sem_alloc : memref<!tpu.dma_semaphore, #tpu.memory_space<semaphore_mem>>
        %dma_start3A = arith.constant 0 : i32
        %dma_start3A_95 = tpu.memref_slice %arg4[%add3A_79, %dma_start3A] : memref<51200x128xf32, #tpu.memory_space<hbm>> -> memref<128x128xf32, #tpu.memory_space<hbm>>
        %dma_start3A_96 = arith.constant 0 : i32
        %dma_start3A_97 = tpu.memref_slice %arg8[%add3A_76, %dma_start3A_96] : memref<10240x128xf32, #tpu.memory_space<vmem_shared>> -> memref<128x128xf32, #tpu.memory_space<vmem_shared>>
        tpu.enqueue_dma source(%dma_start3A_97 : memref<128x128xf32, #tpu.memory_space<vmem_shared>>) target(%dma_start3A_95 : memref<128x128xf32, #tpu.memory_space<hbm>>) target_semaphore(%run_scoped3A : memref<!tpu.dma_semaphore, #tpu.memory_space<semaphore_mem>>)
        %dma_wait3A = arith.constant 0 : i32
        %dma_wait3A_98 = tpu.memref_slice %arg4[%add3A_79, %dma_wait3A] : memref<51200x128xf32, #tpu.memory_space<hbm>> -> memref<128x128xf32, #tpu.memory_space<hbm>>
        %dma_wait3A_99 = arith.constant 0 : i32
        %dma_wait3A_100 = tpu.memref_slice %arg8[%add3A_76, %dma_wait3A_99] : memref<10240x128xf32, #tpu.memory_space<vmem_shared>> -> memref<128x128xf32, #tpu.memory_space<vmem_shared>>
        tpu.wait_dma2 semaphore(%run_scoped3A : memref<!tpu.dma_semaphore, #tpu.memory_space<semaphore_mem>>) src(%dma_wait3A_100 : memref<128x128xf32, #tpu.memory_space<vmem_shared>>) dst(%dma_wait3A_98 : memref<128x128xf32, #tpu.memory_space<hbm>>)
        tpu.yield
      }) : () -> ()
      %mul3A_80 = arith.constant 640 : i32
      %mul3A_81 = arith.muli %arg1, %mul3A_80 : i32
      %add3A_82 = arith.constant 384 : i32
      %add3A_83 = arith.addi %mul3A_81, %add3A_82 : i32
      %mul3A_84 = arith.constant 10240 : i32
      %mul3A_85 = arith.muli %add3A_6, %mul3A_84 : i32
      %add3A_86 = arith.addi %mul3A_85, %add3A_83 : i32
      "tpu.region"() ({
        %run_scoped3A = tpu.sem_alloc : memref<!tpu.dma_semaphore, #tpu.memory_space<semaphore_mem>>
        %dma_start3A = arith.constant 0 : i32
        %dma_start3A_95 = tpu.memref_slice %arg4[%add3A_86, %dma_start3A] : memref<51200x128xf32, #tpu.memory_space<hbm>> -> memref<128x128xf32, #tpu.memory_space<hbm>>
        %dma_start3A_96 = arith.constant 0 : i32
        %dma_start3A_97 = tpu.memref_slice %arg8[%add3A_83, %dma_start3A_96] : memref<10240x128xf32, #tpu.memory_space<vmem_shared>> -> memref<128x128xf32, #tpu.memory_space<vmem_shared>>
        tpu.enqueue_dma source(%dma_start3A_97 : memref<128x128xf32, #tpu.memory_space<vmem_shared>>) target(%dma_start3A_95 : memref<128x128xf32, #tpu.memory_space<hbm>>) target_semaphore(%run_scoped3A : memref<!tpu.dma_semaphore, #tpu.memory_space<semaphore_mem>>)
        %dma_wait3A = arith.constant 0 : i32
        %dma_wait3A_98 = tpu.memref_slice %arg4[%add3A_86, %dma_wait3A] : memref<51200x128xf32, #tpu.memory_space<hbm>> -> memref<128x128xf32, #tpu.memory_space<hbm>>
        %dma_wait3A_99 = arith.constant 0 : i32
        %dma_wait3A_100 = tpu.memref_slice %arg8[%add3A_83, %dma_wait3A_99] : memref<10240x128xf32, #tpu.memory_space<vmem_shared>> -> memref<128x128xf32, #tpu.memory_space<vmem_shared>>
        tpu.wait_dma2 semaphore(%run_scoped3A : memref<!tpu.dma_semaphore, #tpu.memory_space<semaphore_mem>>) src(%dma_wait3A_100 : memref<128x128xf32, #tpu.memory_space<vmem_shared>>) dst(%dma_wait3A_98 : memref<128x128xf32, #tpu.memory_space<hbm>>)
        tpu.yield
      }) : () -> ()
      %mul3A_87 = arith.constant 640 : i32
      %mul3A_88 = arith.muli %arg1, %mul3A_87 : i32
      %add3A_89 = arith.constant 512 : i32
      %add3A_90 = arith.addi %mul3A_88, %add3A_89 : i32
      %mul3A_91 = arith.constant 10240 : i32
      %mul3A_92 = arith.muli %add3A_6, %mul3A_91 : i32
      %add3A_93 = arith.addi %mul3A_92, %add3A_90 : i32
      "tpu.region"() ({
        %run_scoped3A = tpu.sem_alloc : memref<!tpu.dma_semaphore, #tpu.memory_space<semaphore_mem>>
        %dma_start3A = arith.constant 0 : i32
        %dma_start3A_95 = tpu.memref_slice %arg4[%add3A_93, %dma_start3A] : memref<51200x128xf32, #tpu.memory_space<hbm>> -> memref<128x128xf32, #tpu.memory_space<hbm>>
        %dma_start3A_96 = arith.constant 0 : i32
        %dma_start3A_97 = tpu.memref_slice %arg8[%add3A_90, %dma_start3A_96] : memref<10240x128xf32, #tpu.memory_space<vmem_shared>> -> memref<128x128xf32, #tpu.memory_space<vmem_shared>>
        tpu.enqueue_dma source(%dma_start3A_97 : memref<128x128xf32, #tpu.memory_space<vmem_shared>>) target(%dma_start3A_95 : memref<128x128xf32, #tpu.memory_space<hbm>>) target_semaphore(%run_scoped3A : memref<!tpu.dma_semaphore, #tpu.memory_space<semaphore_mem>>)
        %dma_wait3A = arith.constant 0 : i32
        %dma_wait3A_98 = tpu.memref_slice %arg4[%add3A_93, %dma_wait3A] : memref<51200x128xf32, #tpu.memory_space<hbm>> -> memref<128x128xf32, #tpu.memory_space<hbm>>
        %dma_wait3A_99 = arith.constant 0 : i32
        %dma_wait3A_100 = tpu.memref_slice %arg8[%add3A_90, %dma_wait3A_99] : memref<10240x128xf32, #tpu.memory_space<vmem_shared>> -> memref<128x128xf32, #tpu.memory_space<vmem_shared>>
        tpu.wait_dma2 semaphore(%run_scoped3A : memref<!tpu.dma_semaphore, #tpu.memory_space<semaphore_mem>>) src(%dma_wait3A_100 : memref<128x128xf32, #tpu.memory_space<vmem_shared>>) dst(%dma_wait3A_98 : memref<128x128xf32, #tpu.memory_space<hbm>>)
        tpu.yield
      }) : () -> ()
      %barrier3A_94 = arith.constant 0 : index
      tpu.barrier barrier_id(%barrier3A_94)
    } else {
    }
    %mul3A_10 = arith.constant 3 : i32
    %mul3A_11 = arith.muli %mul3A_10, %arg0 : i32
    %add3A_12 = arith.constant 1 : i32
    %add3A_13 = arith.addi %add3A_12, %mul3A_11 : i32
    %eq3A_14 = arith.constant 0 : i32
    %eq3A_15 = arith.cmpi eq, %arg0, %eq3A_14 : i32
    %or3A_16 = arith.constant true
    %or3A_17 = arith.ori %eq3A_15, %or3A_16 : i1
    %convert_element_type3A_18 = arith.extui %or3A_17 : i1 to i32
    %cond3A_19 = arith.constant 0 : i32
    %cond3A_20 = arith.cmpi ne, %convert_element_type3A_18, %cond3A_19 : i32
    scf.if %cond3A_20 {
      %mul3A_32 = arith.constant 640 : i32
      %mul3A_33 = arith.muli %arg1, %mul3A_32 : i32
      %add3A_34 = arith.constant 0 : i32
      %add3A_35 = arith.addi %mul3A_33, %add3A_34 : i32
      "tpu.region"() ({
        %run_scoped3A = tpu.sem_alloc : memref<!tpu.dma_semaphore, #tpu.memory_space<semaphore_mem>>
        %dma_start3A = arith.constant 0 : i32
        %dma_start3A_95 = tpu.memref_slice %arg8[%add3A_35, %dma_start3A] : memref<10240x128xf32, #tpu.memory_space<vmem_shared>> -> memref<128x128xf32, #tpu.memory_space<vmem_shared>>
        %dma_start3A_96 = arith.constant 0 : i32
        %dma_start3A_97 = tpu.memref_slice %arg8[%add3A_35, %dma_start3A_96] : memref<10240x128xf32, #tpu.memory_space<vmem_shared>> -> memref<128x128xf32, #tpu.memory_space<vmem_shared>>
        tpu.enqueue_dma source(%arg7 : memref<128x128xf32, #tpu.memory_space<vmem>>) target(%dma_start3A_97 : memref<128x128xf32, #tpu.memory_space<vmem_shared>>) target_semaphore(%run_scoped3A : memref<!tpu.dma_semaphore, #tpu.memory_space<semaphore_mem>>)
        %dma_wait3A = arith.constant 0 : i32
        %dma_wait3A_98 = tpu.memref_slice %arg8[%add3A_35, %dma_wait3A] : memref<10240x128xf32, #tpu.memory_space<vmem_shared>> -> memref<128x128xf32, #tpu.memory_space<vmem_shared>>
        %dma_wait3A_99 = arith.constant 0 : i32
        %dma_wait3A_100 = tpu.memref_slice %arg8[%add3A_35, %dma_wait3A_99] : memref<10240x128xf32, #tpu.memory_space<vmem_shared>> -> memref<128x128xf32, #tpu.memory_space<vmem_shared>>
        tpu.wait_dma2 semaphore(%run_scoped3A : memref<!tpu.dma_semaphore, #tpu.memory_space<semaphore_mem>>) src(%arg7 : memref<128x128xf32, #tpu.memory_space<vmem>>) dst(%dma_wait3A_100 : memref<128x128xf32, #tpu.memory_space<vmem_shared>>)
        tpu.yield
      }) : () -> ()
      %mul3A_36 = arith.constant 640 : i32
      %mul3A_37 = arith.muli %arg1, %mul3A_36 : i32
      %add3A_38 = arith.constant 128 : i32
      %add3A_39 = arith.addi %mul3A_37, %add3A_38 : i32
      "tpu.region"() ({
        %run_scoped3A = tpu.sem_alloc : memref<!tpu.dma_semaphore, #tpu.memory_space<semaphore_mem>>
        %dma_start3A = arith.constant 0 : i32
        %dma_start3A_95 = tpu.memref_slice %arg8[%add3A_39, %dma_start3A] : memref<10240x128xf32, #tpu.memory_space<vmem_shared>> -> memref<128x128xf32, #tpu.memory_space<vmem_shared>>
        %dma_start3A_96 = arith.constant 0 : i32
        %dma_start3A_97 = tpu.memref_slice %arg8[%add3A_39, %dma_start3A_96] : memref<10240x128xf32, #tpu.memory_space<vmem_shared>> -> memref<128x128xf32, #tpu.memory_space<vmem_shared>>
        tpu.enqueue_dma source(%arg7 : memref<128x128xf32, #tpu.memory_space<vmem>>) target(%dma_start3A_97 : memref<128x128xf32, #tpu.memory_space<vmem_shared>>) target_semaphore(%run_scoped3A : memref<!tpu.dma_semaphore, #tpu.memory_space<semaphore_mem>>)
        %dma_wait3A = arith.constant 0 : i32
        %dma_wait3A_98 = tpu.memref_slice %arg8[%add3A_39, %dma_wait3A] : memref<10240x128xf32, #tpu.memory_space<vmem_shared>> -> memref<128x128xf32, #tpu.memory_space<vmem_shared>>
        %dma_wait3A_99 = arith.constant 0 : i32
        %dma_wait3A_100 = tpu.memref_slice %arg8[%add3A_39, %dma_wait3A_99] : memref<10240x128xf32, #tpu.memory_space<vmem_shared>> -> memref<128x128xf32, #tpu.memory_space<vmem_shared>>
        tpu.wait_dma2 semaphore(%run_scoped3A : memref<!tpu.dma_semaphore, #tpu.memory_space<semaphore_mem>>) src(%arg7 : memref<128x128xf32, #tpu.memory_space<vmem>>) dst(%dma_wait3A_100 : memref<128x128xf32, #tpu.memory_space<vmem_shared>>)
        tpu.yield
      }) : () -> ()
      %mul3A_40 = arith.constant 640 : i32
      %mul3A_41 = arith.muli %arg1, %mul3A_40 : i32
      %add3A_42 = arith.constant 256 : i32
      %add3A_43 = arith.addi %mul3A_41, %add3A_42 : i32
      "tpu.region"() ({
        %run_scoped3A = tpu.sem_alloc : memref<!tpu.dma_semaphore, #tpu.memory_space<semaphore_mem>>
        %dma_start3A = arith.constant 0 : i32
        %dma_start3A_95 = tpu.memref_slice %arg8[%add3A_43, %dma_start3A] : memref<10240x128xf32, #tpu.memory_space<vmem_shared>> -> memref<128x128xf32, #tpu.memory_space<vmem_shared>>
        %dma_start3A_96 = arith.constant 0 : i32
        %dma_start3A_97 = tpu.memref_slice %arg8[%add3A_43, %dma_start3A_96] : memref<10240x128xf32, #tpu.memory_space<vmem_shared>> -> memref<128x128xf32, #tpu.memory_space<vmem_shared>>
        tpu.enqueue_dma source(%arg7 : memref<128x128xf32, #tpu.memory_space<vmem>>) target(%dma_start3A_97 : memref<128x128xf32, #tpu.memory_space<vmem_shared>>) target_semaphore(%run_scoped3A : memref<!tpu.dma_semaphore, #tpu.memory_space<semaphore_mem>>)
        %dma_wait3A = arith.constant 0 : i32
        %dma_wait3A_98 = tpu.memref_slice %arg8[%add3A_43, %dma_wait3A] : memref<10240x128xf32, #tpu.memory_space<vmem_shared>> -> memref<128x128xf32, #tpu.memory_space<vmem_shared>>
        %dma_wait3A_99 = arith.constant 0 : i32
        %dma_wait3A_100 = tpu.memref_slice %arg8[%add3A_43, %dma_wait3A_99] : memref<10240x128xf32, #tpu.memory_space<vmem_shared>> -> memref<128x128xf32, #tpu.memory_space<vmem_shared>>
        tpu.wait_dma2 semaphore(%run_scoped3A : memref<!tpu.dma_semaphore, #tpu.memory_space<semaphore_mem>>) src(%arg7 : memref<128x128xf32, #tpu.memory_space<vmem>>) dst(%dma_wait3A_100 : memref<128x128xf32, #tpu.memory_space<vmem_shared>>)
        tpu.yield
      }) : () -> ()
      %mul3A_44 = arith.constant 640 : i32
      %mul3A_45 = arith.muli %arg1, %mul3A_44 : i32
      %add3A_46 = arith.constant 384 : i32
      %add3A_47 = arith.addi %mul3A_45, %add3A_46 : i32
      "tpu.region"() ({
        %run_scoped3A = tpu.sem_alloc : memref<!tpu.dma_semaphore, #tpu.memory_space<semaphore_mem>>
        %dma_start3A = arith.constant 0 : i32
        %dma_start3A_95 = tpu.memref_slice %arg8[%add3A_47, %dma_start3A] : memref<10240x128xf32, #tpu.memory_space<vmem_shared>> -> memref<128x128xf32, #tpu.memory_space<vmem_shared>>
        %dma_start3A_96 = arith.constant 0 : i32
        %dma_start3A_97 = tpu.memref_slice %arg8[%add3A_47, %dma_start3A_96] : memref<10240x128xf32, #tpu.memory_space<vmem_shared>> -> memref<128x128xf32, #tpu.memory_space<vmem_shared>>
        tpu.enqueue_dma source(%arg7 : memref<128x128xf32, #tpu.memory_space<vmem>>) target(%dma_start3A_97 : memref<128x128xf32, #tpu.memory_space<vmem_shared>>) target_semaphore(%run_scoped3A : memref<!tpu.dma_semaphore, #tpu.memory_space<semaphore_mem>>)
        %dma_wait3A = arith.constant 0 : i32
        %dma_wait3A_98 = tpu.memref_slice %arg8[%add3A_47, %dma_wait3A] : memref<10240x128xf32, #tpu.memory_space<vmem_shared>> -> memref<128x128xf32, #tpu.memory_space<vmem_shared>>
        %dma_wait3A_99 = arith.constant 0 : i32
        %dma_wait3A_100 = tpu.memref_slice %arg8[%add3A_47, %dma_wait3A_99] : memref<10240x128xf32, #tpu.memory_space<vmem_shared>> -> memref<128x128xf32, #tpu.memory_space<vmem_shared>>
        tpu.wait_dma2 semaphore(%run_scoped3A : memref<!tpu.dma_semaphore, #tpu.memory_space<semaphore_mem>>) src(%arg7 : memref<128x128xf32, #tpu.memory_space<vmem>>) dst(%dma_wait3A_100 : memref<128x128xf32, #tpu.memory_space<vmem_shared>>)
        tpu.yield
      }) : () -> ()
      %mul3A_48 = arith.constant 640 : i32
      %mul3A_49 = arith.muli %arg1, %mul3A_48 : i32
      %add3A_50 = arith.constant 512 : i32
      %add3A_51 = arith.addi %mul3A_49, %add3A_50 : i32
      "tpu.region"() ({
        %run_scoped3A = tpu.sem_alloc : memref<!tpu.dma_semaphore, #tpu.memory_space<semaphore_mem>>
        %dma_start3A = arith.constant 0 : i32
        %dma_start3A_95 = tpu.memref_slice %arg8[%add3A_51, %dma_start3A] : memref<10240x128xf32, #tpu.memory_space<vmem_shared>> -> memref<128x128xf32, #tpu.memory_space<vmem_shared>>
        %dma_start3A_96 = arith.constant 0 : i32
        %dma_start3A_97 = tpu.memref_slice %arg8[%add3A_51, %dma_start3A_96] : memref<10240x128xf32, #tpu.memory_space<vmem_shared>> -> memref<128x128xf32, #tpu.memory_space<vmem_shared>>
        tpu.enqueue_dma source(%arg7 : memref<128x128xf32, #tpu.memory_space<vmem>>) target(%dma_start3A_97 : memref<128x128xf32, #tpu.memory_space<vmem_shared>>) target_semaphore(%run_scoped3A : memref<!tpu.dma_semaphore, #tpu.memory_space<semaphore_mem>>)
        %dma_wait3A = arith.constant 0 : i32
        %dma_wait3A_98 = tpu.memref_slice %arg8[%add3A_51, %dma_wait3A] : memref<10240x128xf32, #tpu.memory_space<vmem_shared>> -> memref<128x128xf32, #tpu.memory_space<vmem_shared>>
        %dma_wait3A_99 = arith.constant 0 : i32
        %dma_wait3A_100 = tpu.memref_slice %arg8[%add3A_51, %dma_wait3A_99] : memref<10240x128xf32, #tpu.memory_space<vmem_shared>> -> memref<128x128xf32, #tpu.memory_space<vmem_shared>>
        tpu.wait_dma2 semaphore(%run_scoped3A : memref<!tpu.dma_semaphore, #tpu.memory_space<semaphore_mem>>) src(%arg7 : memref<128x128xf32, #tpu.memory_space<vmem>>) dst(%dma_wait3A_100 : memref<128x128xf32, #tpu.memory_space<vmem_shared>>)
        tpu.yield
      }) : () -> ()
      %barrier3A = arith.constant 0 : index
      tpu.barrier barrier_id(%barrier3A)
      %scan3A_52 = arith.constant 0 : i32
      %scan3A_53 = arith.constant 0 : i32
      %scan3A_54 = arith.constant 157 : i32
      %scan3A_55 = arith.addi %scan3A_53, %scan3A_54 : i32
      %scan3A_56 = arith.constant 1 : i32
      scf.for %scan3A_95 = %scan3A_53 to %scan3A_55 step %scan3A_56  : i32 {
        %mul3A_96 = arith.constant 16 : i32
        %mul3A_97 = arith.muli %scan3A_95, %mul3A_96 : i32
        %add3A_98 = arith.addi %arg1, %mul3A_97 : i32
        %lt3A = arith.constant 2500 : i32
        %lt3A_99 = arith.cmpi slt, %add3A_98, %lt3A : i32
        %convert_element_type3A_100 = arith.extui %lt3A_99 : i1 to i32
        %cond3A_101 = arith.constant 0 : i32
        %cond3A_102 = arith.cmpi ne, %convert_element_type3A_100, %cond3A_101 : i32
        scf.if %cond3A_102 {
          %mul3A_103 = arith.constant 128 : i32
          %mul3A_104 = arith.muli %add3A_98, %mul3A_103 : i32
          "tpu.region"() ({
            %run_scoped3A = tpu.sem_alloc : memref<!tpu.dma_semaphore, #tpu.memory_space<semaphore_mem>>
            %dma_start3A = tpu.memref_slice %arg3[%mul3A_104] : memref<320000xi32, #tpu.memory_space<hbm>> -> memref<128xi32, #tpu.memory_space<hbm>>
            %dma_start3A_108 = tpu.memref_slice %arg3[%mul3A_104] : memref<320000xi32, #tpu.memory_space<hbm>> -> memref<128xi32, #tpu.memory_space<hbm>>
            tpu.enqueue_dma source(%dma_start3A_108 : memref<128xi32, #tpu.memory_space<hbm>>) target(%arg5 : memref<128xi32, #tpu.memory_space<vmem>>) target_semaphore(%run_scoped3A : memref<!tpu.dma_semaphore, #tpu.memory_space<semaphore_mem>>)
            %dma_wait3A = tpu.memref_slice %arg3[%mul3A_104] : memref<320000xi32, #tpu.memory_space<hbm>> -> memref<128xi32, #tpu.memory_space<hbm>>
            %dma_wait3A_109 = tpu.memref_slice %arg3[%mul3A_104] : memref<320000xi32, #tpu.memory_space<hbm>> -> memref<128xi32, #tpu.memory_space<hbm>>
            tpu.wait_dma2 semaphore(%run_scoped3A : memref<!tpu.dma_semaphore, #tpu.memory_space<semaphore_mem>>) src(%dma_wait3A_109 : memref<128xi32, #tpu.memory_space<hbm>>) dst(%arg5 : memref<128xi32, #tpu.memory_space<vmem>>)
            tpu.yield
          }) : () -> ()
          %mul3A_105 = arith.constant 320000 : i32
          %mul3A_106 = arith.muli %add3A_13, %mul3A_105 : i32
          %add3A_107 = arith.addi %mul3A_106, %mul3A_104 : i32
          "tpu.region"() ({
            %run_scoped3A = tpu.sem_alloc : memref<!tpu.dma_semaphore, #tpu.memory_space<semaphore_mem>>
            %dma_start3A = arith.constant 0 : i32
            %dma_start3A_108 = tpu.memref_slice %arg2[%add3A_107, %dma_start3A] : memref<1600000x128xf32, #tpu.memory_space<hbm>> -> memref<128x128xf32, #tpu.memory_space<hbm>>
            %dma_start3A_109 = arith.constant 0 : i32
            %dma_start3A_110 = tpu.memref_slice %arg2[%add3A_107, %dma_start3A_109] : memref<1600000x128xf32, #tpu.memory_space<hbm>> -> memref<128x128xf32, #tpu.memory_space<hbm>>
            tpu.enqueue_dma source(%dma_start3A_110 : memref<128x128xf32, #tpu.memory_space<hbm>>) target(%arg6 : memref<128x128xf32, #tpu.memory_space<vmem>>) target_semaphore(%run_scoped3A : memref<!tpu.dma_semaphore, #tpu.memory_space<semaphore_mem>>)
            %dma_wait3A = arith.constant 0 : i32
            %dma_wait3A_111 = tpu.memref_slice %arg2[%add3A_107, %dma_wait3A] : memref<1600000x128xf32, #tpu.memory_space<hbm>> -> memref<128x128xf32, #tpu.memory_space<hbm>>
            %dma_wait3A_112 = arith.constant 0 : i32
            %dma_wait3A_113 = tpu.memref_slice %arg2[%add3A_107, %dma_wait3A_112] : memref<1600000x128xf32, #tpu.memory_space<hbm>> -> memref<128x128xf32, #tpu.memory_space<hbm>>
            tpu.wait_dma2 semaphore(%run_scoped3A : memref<!tpu.dma_semaphore, #tpu.memory_space<semaphore_mem>>) src(%dma_wait3A_113 : memref<128x128xf32, #tpu.memory_space<hbm>>) dst(%arg6 : memref<128x128xf32, #tpu.memory_space<vmem>>)
            tpu.yield
          }) : () -> ()
          "tpu.region"() ({
            %run_scoped3A = tpu.sem_alloc : memref<!tpu.dma_semaphore, #tpu.memory_space<semaphore_mem>>
            %dma_start3A = arith.constant 0 : i32
            %dma_start3A_108 = arith.constant 0 : i32
            %dma_start3A_109 = tpu.memref_slice %arg8[%dma_start3A, %dma_start3A_108] : memref<10240x128xf32, #tpu.memory_space<vmem_shared>> -> memref<10240x128xf32, #tpu.memory_space<vmem_shared>>
            tpu.enqueue_indirect_dma source(%arg6 : memref<128x128xf32, #tpu.memory_space<vmem>>) target(%dma_start3A_109 : memref<10240x128xf32, #tpu.memory_space<vmem_shared>>) offsets(%arg5 : memref<128xi32, #tpu.memory_space<vmem>>) semaphore(%run_scoped3A : memref<!tpu.dma_semaphore, #tpu.memory_space<semaphore_mem>>) {add = true}
            %dma_wait3A = arith.constant 0 : i32
            %dma_wait3A_110 = arith.constant 0 : i32
            %dma_wait3A_111 = tpu.memref_slice %arg8[%dma_wait3A, %dma_wait3A_110] : memref<10240x128xf32, #tpu.memory_space<vmem_shared>> -> memref<10240x128xf32, #tpu.memory_space<vmem_shared>>
            tpu.wait_indirect_dma semaphore(%run_scoped3A : memref<!tpu.dma_semaphore, #tpu.memory_space<semaphore_mem>>) src(%arg6 : memref<128x128xf32, #tpu.memory_space<vmem>>) dst(%dma_wait3A_111 : memref<10240x128xf32, #tpu.memory_space<vmem_shared>>)
            tpu.yield
          }) : () -> ()
        } else {
        }
      }
      %scan3A_57 = arith.constant 157 : i32
      %barrier3A_58 = arith.constant 0 : index
      tpu.barrier barrier_id(%barrier3A_58)
      %mul3A_59 = arith.constant 640 : i32
      %mul3A_60 = arith.muli %arg1, %mul3A_59 : i32
      %add3A_61 = arith.constant 0 : i32
      %add3A_62 = arith.addi %mul3A_60, %add3A_61 : i32
      %mul3A_63 = arith.constant 10240 : i32
      %mul3A_64 = arith.muli %add3A_13, %mul3A_63 : i32
      %add3A_65 = arith.addi %mul3A_64, %add3A_62 : i32
      "tpu.region"() ({
        %run_scoped3A = tpu.sem_alloc : memref<!tpu.dma_semaphore, #tpu.memory_space<semaphore_mem>>
        %dma_start3A = arith.constant 0 : i32
        %dma_start3A_95 = tpu.memref_slice %arg4[%add3A_65, %dma_start3A] : memref<51200x128xf32, #tpu.memory_space<hbm>> -> memref<128x128xf32, #tpu.memory_space<hbm>>
        %dma_start3A_96 = arith.constant 0 : i32
        %dma_start3A_97 = tpu.memref_slice %arg8[%add3A_62, %dma_start3A_96] : memref<10240x128xf32, #tpu.memory_space<vmem_shared>> -> memref<128x128xf32, #tpu.memory_space<vmem_shared>>
        tpu.enqueue_dma source(%dma_start3A_97 : memref<128x128xf32, #tpu.memory_space<vmem_shared>>) target(%dma_start3A_95 : memref<128x128xf32, #tpu.memory_space<hbm>>) target_semaphore(%run_scoped3A : memref<!tpu.dma_semaphore, #tpu.memory_space<semaphore_mem>>)
        %dma_wait3A = arith.constant 0 : i32
        %dma_wait3A_98 = tpu.memref_slice %arg4[%add3A_65, %dma_wait3A] : memref<51200x128xf32, #tpu.memory_space<hbm>> -> memref<128x128xf32, #tpu.memory_space<hbm>>
        %dma_wait3A_99 = arith.constant 0 : i32
        %dma_wait3A_100 = tpu.memref_slice %arg8[%add3A_62, %dma_wait3A_99] : memref<10240x128xf32, #tpu.memory_space<vmem_shared>> -> memref<128x128xf32, #tpu.memory_space<vmem_shared>>
        tpu.wait_dma2 semaphore(%run_scoped3A : memref<!tpu.dma_semaphore, #tpu.memory_space<semaphore_mem>>) src(%dma_wait3A_100 : memref<128x128xf32, #tpu.memory_space<vmem_shared>>) dst(%dma_wait3A_98 : memref<128x128xf32, #tpu.memory_space<hbm>>)
        tpu.yield
      }) : () -> ()
      %mul3A_66 = arith.constant 640 : i32
      %mul3A_67 = arith.muli %arg1, %mul3A_66 : i32
      %add3A_68 = arith.constant 128 : i32
      %add3A_69 = arith.addi %mul3A_67, %add3A_68 : i32
      %mul3A_70 = arith.constant 10240 : i32
      %mul3A_71 = arith.muli %add3A_13, %mul3A_70 : i32
      %add3A_72 = arith.addi %mul3A_71, %add3A_69 : i32
      "tpu.region"() ({
        %run_scoped3A = tpu.sem_alloc : memref<!tpu.dma_semaphore, #tpu.memory_space<semaphore_mem>>
        %dma_start3A = arith.constant 0 : i32
        %dma_start3A_95 = tpu.memref_slice %arg4[%add3A_72, %dma_start3A] : memref<51200x128xf32, #tpu.memory_space<hbm>> -> memref<128x128xf32, #tpu.memory_space<hbm>>
        %dma_start3A_96 = arith.constant 0 : i32
        %dma_start3A_97 = tpu.memref_slice %arg8[%add3A_69, %dma_start3A_96] : memref<10240x128xf32, #tpu.memory_space<vmem_shared>> -> memref<128x128xf32, #tpu.memory_space<vmem_shared>>
        tpu.enqueue_dma source(%dma_start3A_97 : memref<128x128xf32, #tpu.memory_space<vmem_shared>>) target(%dma_start3A_95 : memref<128x128xf32, #tpu.memory_space<hbm>>) target_semaphore(%run_scoped3A : memref<!tpu.dma_semaphore, #tpu.memory_space<semaphore_mem>>)
        %dma_wait3A = arith.constant 0 : i32
        %dma_wait3A_98 = tpu.memref_slice %arg4[%add3A_72, %dma_wait3A] : memref<51200x128xf32, #tpu.memory_space<hbm>> -> memref<128x128xf32, #tpu.memory_space<hbm>>
        %dma_wait3A_99 = arith.constant 0 : i32
        %dma_wait3A_100 = tpu.memref_slice %arg8[%add3A_69, %dma_wait3A_99] : memref<10240x128xf32, #tpu.memory_space<vmem_shared>> -> memref<128x128xf32, #tpu.memory_space<vmem_shared>>
        tpu.wait_dma2 semaphore(%run_scoped3A : memref<!tpu.dma_semaphore, #tpu.memory_space<semaphore_mem>>) src(%dma_wait3A_100 : memref<128x128xf32, #tpu.memory_space<vmem_shared>>) dst(%dma_wait3A_98 : memref<128x128xf32, #tpu.memory_space<hbm>>)
        tpu.yield
      }) : () -> ()
      %mul3A_73 = arith.constant 640 : i32
      %mul3A_74 = arith.muli %arg1, %mul3A_73 : i32
      %add3A_75 = arith.constant 256 : i32
      %add3A_76 = arith.addi %mul3A_74, %add3A_75 : i32
      %mul3A_77 = arith.constant 10240 : i32
      %mul3A_78 = arith.muli %add3A_13, %mul3A_77 : i32
      %add3A_79 = arith.addi %mul3A_78, %add3A_76 : i32
      "tpu.region"() ({
        %run_scoped3A = tpu.sem_alloc : memref<!tpu.dma_semaphore, #tpu.memory_space<semaphore_mem>>
        %dma_start3A = arith.constant 0 : i32
        %dma_start3A_95 = tpu.memref_slice %arg4[%add3A_79, %dma_start3A] : memref<51200x128xf32, #tpu.memory_space<hbm>> -> memref<128x128xf32, #tpu.memory_space<hbm>>
        %dma_start3A_96 = arith.constant 0 : i32
        %dma_start3A_97 = tpu.memref_slice %arg8[%add3A_76, %dma_start3A_96] : memref<10240x128xf32, #tpu.memory_space<vmem_shared>> -> memref<128x128xf32, #tpu.memory_space<vmem_shared>>
        tpu.enqueue_dma source(%dma_start3A_97 : memref<128x128xf32, #tpu.memory_space<vmem_shared>>) target(%dma_start3A_95 : memref<128x128xf32, #tpu.memory_space<hbm>>) target_semaphore(%run_scoped3A : memref<!tpu.dma_semaphore, #tpu.memory_space<semaphore_mem>>)
        %dma_wait3A = arith.constant 0 : i32
        %dma_wait3A_98 = tpu.memref_slice %arg4[%add3A_79, %dma_wait3A] : memref<51200x128xf32, #tpu.memory_space<hbm>> -> memref<128x128xf32, #tpu.memory_space<hbm>>
        %dma_wait3A_99 = arith.constant 0 : i32
        %dma_wait3A_100 = tpu.memref_slice %arg8[%add3A_76, %dma_wait3A_99] : memref<10240x128xf32, #tpu.memory_space<vmem_shared>> -> memref<128x128xf32, #tpu.memory_space<vmem_shared>>
        tpu.wait_dma2 semaphore(%run_scoped3A : memref<!tpu.dma_semaphore, #tpu.memory_space<semaphore_mem>>) src(%dma_wait3A_100 : memref<128x128xf32, #tpu.memory_space<vmem_shared>>) dst(%dma_wait3A_98 : memref<128x128xf32, #tpu.memory_space<hbm>>)
        tpu.yield
      }) : () -> ()
      %mul3A_80 = arith.constant 640 : i32
      %mul3A_81 = arith.muli %arg1, %mul3A_80 : i32
      %add3A_82 = arith.constant 384 : i32
      %add3A_83 = arith.addi %mul3A_81, %add3A_82 : i32
      %mul3A_84 = arith.constant 10240 : i32
      %mul3A_85 = arith.muli %add3A_13, %mul3A_84 : i32
      %add3A_86 = arith.addi %mul3A_85, %add3A_83 : i32
      "tpu.region"() ({
        %run_scoped3A = tpu.sem_alloc : memref<!tpu.dma_semaphore, #tpu.memory_space<semaphore_mem>>
        %dma_start3A = arith.constant 0 : i32
        %dma_start3A_95 = tpu.memref_slice %arg4[%add3A_86, %dma_start3A] : memref<51200x128xf32, #tpu.memory_space<hbm>> -> memref<128x128xf32, #tpu.memory_space<hbm>>
        %dma_start3A_96 = arith.constant 0 : i32
        %dma_start3A_97 = tpu.memref_slice %arg8[%add3A_83, %dma_start3A_96] : memref<10240x128xf32, #tpu.memory_space<vmem_shared>> -> memref<128x128xf32, #tpu.memory_space<vmem_shared>>
        tpu.enqueue_dma source(%dma_start3A_97 : memref<128x128xf32, #tpu.memory_space<vmem_shared>>) target(%dma_start3A_95 : memref<128x128xf32, #tpu.memory_space<hbm>>) target_semaphore(%run_scoped3A : memref<!tpu.dma_semaphore, #tpu.memory_space<semaphore_mem>>)
        %dma_wait3A = arith.constant 0 : i32
        %dma_wait3A_98 = tpu.memref_slice %arg4[%add3A_86, %dma_wait3A] : memref<51200x128xf32, #tpu.memory_space<hbm>> -> memref<128x128xf32, #tpu.memory_space<hbm>>
        %dma_wait3A_99 = arith.constant 0 : i32
        %dma_wait3A_100 = tpu.memref_slice %arg8[%add3A_83, %dma_wait3A_99] : memref<10240x128xf32, #tpu.memory_space<vmem_shared>> -> memref<128x128xf32, #tpu.memory_space<vmem_shared>>
        tpu.wait_dma2 semaphore(%run_scoped3A : memref<!tpu.dma_semaphore, #tpu.memory_space<semaphore_mem>>) src(%dma_wait3A_100 : memref<128x128xf32, #tpu.memory_space<vmem_shared>>) dst(%dma_wait3A_98 : memref<128x128xf32, #tpu.memory_space<hbm>>)
        tpu.yield
      }) : () -> ()
      %mul3A_87 = arith.constant 640 : i32
      %mul3A_88 = arith.muli %arg1, %mul3A_87 : i32
      %add3A_89 = arith.constant 512 : i32
      %add3A_90 = arith.addi %mul3A_88, %add3A_89 : i32
      %mul3A_91 = arith.constant 10240 : i32
      %mul3A_92 = arith.muli %add3A_13, %mul3A_91 : i32
      %add3A_93 = arith.addi %mul3A_92, %add3A_90 : i32
      "tpu.region"() ({
        %run_scoped3A = tpu.sem_alloc : memref<!tpu.dma_semaphore, #tpu.memory_space<semaphore_mem>>
        %dma_start3A = arith.constant 0 : i32
        %dma_start3A_95 = tpu.memref_slice %arg4[%add3A_93, %dma_start3A] : memref<51200x128xf32, #tpu.memory_space<hbm>> -> memref<128x128xf32, #tpu.memory_space<hbm>>
        %dma_start3A_96 = arith.constant 0 : i32
        %dma_start3A_97 = tpu.memref_slice %arg8[%add3A_90, %dma_start3A_96] : memref<10240x128xf32, #tpu.memory_space<vmem_shared>> -> memref<128x128xf32, #tpu.memory_space<vmem_shared>>
        tpu.enqueue_dma source(%dma_start3A_97 : memref<128x128xf32, #tpu.memory_space<vmem_shared>>) target(%dma_start3A_95 : memref<128x128xf32, #tpu.memory_space<hbm>>) target_semaphore(%run_scoped3A : memref<!tpu.dma_semaphore, #tpu.memory_space<semaphore_mem>>)
        %dma_wait3A = arith.constant 0 : i32
        %dma_wait3A_98 = tpu.memref_slice %arg4[%add3A_93, %dma_wait3A] : memref<51200x128xf32, #tpu.memory_space<hbm>> -> memref<128x128xf32, #tpu.memory_space<hbm>>
        %dma_wait3A_99 = arith.constant 0 : i32
        %dma_wait3A_100 = tpu.memref_slice %arg8[%add3A_90, %dma_wait3A_99] : memref<10240x128xf32, #tpu.memory_space<vmem_shared>> -> memref<128x128xf32, #tpu.memory_space<vmem_shared>>
        tpu.wait_dma2 semaphore(%run_scoped3A : memref<!tpu.dma_semaphore, #tpu.memory_space<semaphore_mem>>) src(%dma_wait3A_100 : memref<128x128xf32, #tpu.memory_space<vmem_shared>>) dst(%dma_wait3A_98 : memref<128x128xf32, #tpu.memory_space<hbm>>)
        tpu.yield
      }) : () -> ()
      %barrier3A_94 = arith.constant 0 : index
      tpu.barrier barrier_id(%barrier3A_94)
    } else {
    }
    %mul3A_21 = arith.constant 3 : i32
    %mul3A_22 = arith.muli %mul3A_21, %arg0 : i32
    %add3A_23 = arith.constant 2 : i32
    %add3A_24 = arith.addi %add3A_23, %mul3A_22 : i32
    %eq3A_25 = arith.constant 0 : i32
    %eq3A_26 = arith.cmpi eq, %arg0, %eq3A_25 : i32
    %or3A_27 = arith.constant false
    %or3A_28 = arith.ori %eq3A_26, %or3A_27 : i1
    %convert_element_type3A_29 = arith.extui %or3A_28 : i1 to i32
    %cond3A_30 = arith.constant 0 : i32
    %cond3A_31 = arith.cmpi ne, %convert_element_type3A_29, %cond3A_30 : i32
    scf.if %cond3A_31 {
      %mul3A_32 = arith.constant 640 : i32
      %mul3A_33 = arith.muli %arg1, %mul3A_32 : i32
      %add3A_34 = arith.constant 0 : i32
      %add3A_35 = arith.addi %mul3A_33, %add3A_34 : i32
      "tpu.region"() ({
        %run_scoped3A = tpu.sem_alloc : memref<!tpu.dma_semaphore, #tpu.memory_space<semaphore_mem>>
        %dma_start3A = arith.constant 0 : i32
        %dma_start3A_95 = tpu.memref_slice %arg8[%add3A_35, %dma_start3A] : memref<10240x128xf32, #tpu.memory_space<vmem_shared>> -> memref<128x128xf32, #tpu.memory_space<vmem_shared>>
        %dma_start3A_96 = arith.constant 0 : i32
        %dma_start3A_97 = tpu.memref_slice %arg8[%add3A_35, %dma_start3A_96] : memref<10240x128xf32, #tpu.memory_space<vmem_shared>> -> memref<128x128xf32, #tpu.memory_space<vmem_shared>>
        tpu.enqueue_dma source(%arg7 : memref<128x128xf32, #tpu.memory_space<vmem>>) target(%dma_start3A_97 : memref<128x128xf32, #tpu.memory_space<vmem_shared>>) target_semaphore(%run_scoped3A : memref<!tpu.dma_semaphore, #tpu.memory_space<semaphore_mem>>)
        %dma_wait3A = arith.constant 0 : i32
        %dma_wait3A_98 = tpu.memref_slice %arg8[%add3A_35, %dma_wait3A] : memref<10240x128xf32, #tpu.memory_space<vmem_shared>> -> memref<128x128xf32, #tpu.memory_space<vmem_shared>>
        %dma_wait3A_99 = arith.constant 0 : i32
        %dma_wait3A_100 = tpu.memref_slice %arg8[%add3A_35, %dma_wait3A_99] : memref<10240x128xf32, #tpu.memory_space<vmem_shared>> -> memref<128x128xf32, #tpu.memory_space<vmem_shared>>
        tpu.wait_dma2 semaphore(%run_scoped3A : memref<!tpu.dma_semaphore, #tpu.memory_space<semaphore_mem>>) src(%arg7 : memref<128x128xf32, #tpu.memory_space<vmem>>) dst(%dma_wait3A_100 : memref<128x128xf32, #tpu.memory_space<vmem_shared>>)
        tpu.yield
      }) : () -> ()
      %mul3A_36 = arith.constant 640 : i32
      %mul3A_37 = arith.muli %arg1, %mul3A_36 : i32
      %add3A_38 = arith.constant 128 : i32
      %add3A_39 = arith.addi %mul3A_37, %add3A_38 : i32
      "tpu.region"() ({
        %run_scoped3A = tpu.sem_alloc : memref<!tpu.dma_semaphore, #tpu.memory_space<semaphore_mem>>
        %dma_start3A = arith.constant 0 : i32
        %dma_start3A_95 = tpu.memref_slice %arg8[%add3A_39, %dma_start3A] : memref<10240x128xf32, #tpu.memory_space<vmem_shared>> -> memref<128x128xf32, #tpu.memory_space<vmem_shared>>
        %dma_start3A_96 = arith.constant 0 : i32
        %dma_start3A_97 = tpu.memref_slice %arg8[%add3A_39, %dma_start3A_96] : memref<10240x128xf32, #tpu.memory_space<vmem_shared>> -> memref<128x128xf32, #tpu.memory_space<vmem_shared>>
        tpu.enqueue_dma source(%arg7 : memref<128x128xf32, #tpu.memory_space<vmem>>) target(%dma_start3A_97 : memref<128x128xf32, #tpu.memory_space<vmem_shared>>) target_semaphore(%run_scoped3A : memref<!tpu.dma_semaphore, #tpu.memory_space<semaphore_mem>>)
        %dma_wait3A = arith.constant 0 : i32
        %dma_wait3A_98 = tpu.memref_slice %arg8[%add3A_39, %dma_wait3A] : memref<10240x128xf32, #tpu.memory_space<vmem_shared>> -> memref<128x128xf32, #tpu.memory_space<vmem_shared>>
        %dma_wait3A_99 = arith.constant 0 : i32
        %dma_wait3A_100 = tpu.memref_slice %arg8[%add3A_39, %dma_wait3A_99] : memref<10240x128xf32, #tpu.memory_space<vmem_shared>> -> memref<128x128xf32, #tpu.memory_space<vmem_shared>>
        tpu.wait_dma2 semaphore(%run_scoped3A : memref<!tpu.dma_semaphore, #tpu.memory_space<semaphore_mem>>) src(%arg7 : memref<128x128xf32, #tpu.memory_space<vmem>>) dst(%dma_wait3A_100 : memref<128x128xf32, #tpu.memory_space<vmem_shared>>)
        tpu.yield
      }) : () -> ()
      %mul3A_40 = arith.constant 640 : i32
      %mul3A_41 = arith.muli %arg1, %mul3A_40 : i32
      %add3A_42 = arith.constant 256 : i32
      %add3A_43 = arith.addi %mul3A_41, %add3A_42 : i32
      "tpu.region"() ({
        %run_scoped3A = tpu.sem_alloc : memref<!tpu.dma_semaphore, #tpu.memory_space<semaphore_mem>>
        %dma_start3A = arith.constant 0 : i32
        %dma_start3A_95 = tpu.memref_slice %arg8[%add3A_43, %dma_start3A] : memref<10240x128xf32, #tpu.memory_space<vmem_shared>> -> memref<128x128xf32, #tpu.memory_space<vmem_shared>>
        %dma_start3A_96 = arith.constant 0 : i32
        %dma_start3A_97 = tpu.memref_slice %arg8[%add3A_43, %dma_start3A_96] : memref<10240x128xf32, #tpu.memory_space<vmem_shared>> -> memref<128x128xf32, #tpu.memory_space<vmem_shared>>
        tpu.enqueue_dma source(%arg7 : memref<128x128xf32, #tpu.memory_space<vmem>>) target(%dma_start3A_97 : memref<128x128xf32, #tpu.memory_space<vmem_shared>>) target_semaphore(%run_scoped3A : memref<!tpu.dma_semaphore, #tpu.memory_space<semaphore_mem>>)
        %dma_wait3A = arith.constant 0 : i32
        %dma_wait3A_98 = tpu.memref_slice %arg8[%add3A_43, %dma_wait3A] : memref<10240x128xf32, #tpu.memory_space<vmem_shared>> -> memref<128x128xf32, #tpu.memory_space<vmem_shared>>
        %dma_wait3A_99 = arith.constant 0 : i32
        %dma_wait3A_100 = tpu.memref_slice %arg8[%add3A_43, %dma_wait3A_99] : memref<10240x128xf32, #tpu.memory_space<vmem_shared>> -> memref<128x128xf32, #tpu.memory_space<vmem_shared>>
        tpu.wait_dma2 semaphore(%run_scoped3A : memref<!tpu.dma_semaphore, #tpu.memory_space<semaphore_mem>>) src(%arg7 : memref<128x128xf32, #tpu.memory_space<vmem>>) dst(%dma_wait3A_100 : memref<128x128xf32, #tpu.memory_space<vmem_shared>>)
        tpu.yield
      }) : () -> ()
      %mul3A_44 = arith.constant 640 : i32
      %mul3A_45 = arith.muli %arg1, %mul3A_44 : i32
      %add3A_46 = arith.constant 384 : i32
      %add3A_47 = arith.addi %mul3A_45, %add3A_46 : i32
      "tpu.region"() ({
        %run_scoped3A = tpu.sem_alloc : memref<!tpu.dma_semaphore, #tpu.memory_space<semaphore_mem>>
        %dma_start3A = arith.constant 0 : i32
        %dma_start3A_95 = tpu.memref_slice %arg8[%add3A_47, %dma_start3A] : memref<10240x128xf32, #tpu.memory_space<vmem_shared>> -> memref<128x128xf32, #tpu.memory_space<vmem_shared>>
        %dma_start3A_96 = arith.constant 0 : i32
        %dma_start3A_97 = tpu.memref_slice %arg8[%add3A_47, %dma_start3A_96] : memref<10240x128xf32, #tpu.memory_space<vmem_shared>> -> memref<128x128xf32, #tpu.memory_space<vmem_shared>>
        tpu.enqueue_dma source(%arg7 : memref<128x128xf32, #tpu.memory_space<vmem>>) target(%dma_start3A_97 : memref<128x128xf32, #tpu.memory_space<vmem_shared>>) target_semaphore(%run_scoped3A : memref<!tpu.dma_semaphore, #tpu.memory_space<semaphore_mem>>)
        %dma_wait3A = arith.constant 0 : i32
        %dma_wait3A_98 = tpu.memref_slice %arg8[%add3A_47, %dma_wait3A] : memref<10240x128xf32, #tpu.memory_space<vmem_shared>> -> memref<128x128xf32, #tpu.memory_space<vmem_shared>>
        %dma_wait3A_99 = arith.constant 0 : i32
        %dma_wait3A_100 = tpu.memref_slice %arg8[%add3A_47, %dma_wait3A_99] : memref<10240x128xf32, #tpu.memory_space<vmem_shared>> -> memref<128x128xf32, #tpu.memory_space<vmem_shared>>
        tpu.wait_dma2 semaphore(%run_scoped3A : memref<!tpu.dma_semaphore, #tpu.memory_space<semaphore_mem>>) src(%arg7 : memref<128x128xf32, #tpu.memory_space<vmem>>) dst(%dma_wait3A_100 : memref<128x128xf32, #tpu.memory_space<vmem_shared>>)
        tpu.yield
      }) : () -> ()
      %mul3A_48 = arith.constant 640 : i32
      %mul3A_49 = arith.muli %arg1, %mul3A_48 : i32
      %add3A_50 = arith.constant 512 : i32
      %add3A_51 = arith.addi %mul3A_49, %add3A_50 : i32
      "tpu.region"() ({
        %run_scoped3A = tpu.sem_alloc : memref<!tpu.dma_semaphore, #tpu.memory_space<semaphore_mem>>
        %dma_start3A = arith.constant 0 : i32
        %dma_start3A_95 = tpu.memref_slice %arg8[%add3A_51, %dma_start3A] : memref<10240x128xf32, #tpu.memory_space<vmem_shared>> -> memref<128x128xf32, #tpu.memory_space<vmem_shared>>
        %dma_start3A_96 = arith.constant 0 : i32
        %dma_start3A_97 = tpu.memref_slice %arg8[%add3A_51, %dma_start3A_96] : memref<10240x128xf32, #tpu.memory_space<vmem_shared>> -> memref<128x128xf32, #tpu.memory_space<vmem_shared>>
        tpu.enqueue_dma source(%arg7 : memref<128x128xf32, #tpu.memory_space<vmem>>) target(%dma_start3A_97 : memref<128x128xf32, #tpu.memory_space<vmem_shared>>) target_semaphore(%run_scoped3A : memref<!tpu.dma_semaphore, #tpu.memory_space<semaphore_mem>>)
        %dma_wait3A = arith.constant 0 : i32
        %dma_wait3A_98 = tpu.memref_slice %arg8[%add3A_51, %dma_wait3A] : memref<10240x128xf32, #tpu.memory_space<vmem_shared>> -> memref<128x128xf32, #tpu.memory_space<vmem_shared>>
        %dma_wait3A_99 = arith.constant 0 : i32
        %dma_wait3A_100 = tpu.memref_slice %arg8[%add3A_51, %dma_wait3A_99] : memref<10240x128xf32, #tpu.memory_space<vmem_shared>> -> memref<128x128xf32, #tpu.memory_space<vmem_shared>>
        tpu.wait_dma2 semaphore(%run_scoped3A : memref<!tpu.dma_semaphore, #tpu.memory_space<semaphore_mem>>) src(%arg7 : memref<128x128xf32, #tpu.memory_space<vmem>>) dst(%dma_wait3A_100 : memref<128x128xf32, #tpu.memory_space<vmem_shared>>)
        tpu.yield
      }) : () -> ()
      %barrier3A = arith.constant 0 : index
      tpu.barrier barrier_id(%barrier3A)
      %scan3A_52 = arith.constant 0 : i32
      %scan3A_53 = arith.constant 0 : i32
      %scan3A_54 = arith.constant 157 : i32
      %scan3A_55 = arith.addi %scan3A_53, %scan3A_54 : i32
      %scan3A_56 = arith.constant 1 : i32
      scf.for %scan3A_95 = %scan3A_53 to %scan3A_55 step %scan3A_56  : i32 {
        %mul3A_96 = arith.constant 16 : i32
        %mul3A_97 = arith.muli %scan3A_95, %mul3A_96 : i32
        %add3A_98 = arith.addi %arg1, %mul3A_97 : i32
        %lt3A = arith.constant 2500 : i32
        %lt3A_99 = arith.cmpi slt, %add3A_98, %lt3A : i32
        %convert_element_type3A_100 = arith.extui %lt3A_99 : i1 to i32
        %cond3A_101 = arith.constant 0 : i32
        %cond3A_102 = arith.cmpi ne, %convert_element_type3A_100, %cond3A_101 : i32
        scf.if %cond3A_102 {
          %mul3A_103 = arith.constant 128 : i32
          %mul3A_104 = arith.muli %add3A_98, %mul3A_103 : i32
          "tpu.region"() ({
            %run_scoped3A = tpu.sem_alloc : memref<!tpu.dma_semaphore, #tpu.memory_space<semaphore_mem>>
            %dma_start3A = tpu.memref_slice %arg3[%mul3A_104] : memref<320000xi32, #tpu.memory_space<hbm>> -> memref<128xi32, #tpu.memory_space<hbm>>
            %dma_start3A_108 = tpu.memref_slice %arg3[%mul3A_104] : memref<320000xi32, #tpu.memory_space<hbm>> -> memref<128xi32, #tpu.memory_space<hbm>>
            tpu.enqueue_dma source(%dma_start3A_108 : memref<128xi32, #tpu.memory_space<hbm>>) target(%arg5 : memref<128xi32, #tpu.memory_space<vmem>>) target_semaphore(%run_scoped3A : memref<!tpu.dma_semaphore, #tpu.memory_space<semaphore_mem>>)
            %dma_wait3A = tpu.memref_slice %arg3[%mul3A_104] : memref<320000xi32, #tpu.memory_space<hbm>> -> memref<128xi32, #tpu.memory_space<hbm>>
            %dma_wait3A_109 = tpu.memref_slice %arg3[%mul3A_104] : memref<320000xi32, #tpu.memory_space<hbm>> -> memref<128xi32, #tpu.memory_space<hbm>>
            tpu.wait_dma2 semaphore(%run_scoped3A : memref<!tpu.dma_semaphore, #tpu.memory_space<semaphore_mem>>) src(%dma_wait3A_109 : memref<128xi32, #tpu.memory_space<hbm>>) dst(%arg5 : memref<128xi32, #tpu.memory_space<vmem>>)
            tpu.yield
          }) : () -> ()
          %mul3A_105 = arith.constant 320000 : i32
          %mul3A_106 = arith.muli %add3A_24, %mul3A_105 : i32
          %add3A_107 = arith.addi %mul3A_106, %mul3A_104 : i32
          "tpu.region"() ({
            %run_scoped3A = tpu.sem_alloc : memref<!tpu.dma_semaphore, #tpu.memory_space<semaphore_mem>>
            %dma_start3A = arith.constant 0 : i32
            %dma_start3A_108 = tpu.memref_slice %arg2[%add3A_107, %dma_start3A] : memref<1600000x128xf32, #tpu.memory_space<hbm>> -> memref<128x128xf32, #tpu.memory_space<hbm>>
            %dma_start3A_109 = arith.constant 0 : i32
            %dma_start3A_110 = tpu.memref_slice %arg2[%add3A_107, %dma_start3A_109] : memref<1600000x128xf32, #tpu.memory_space<hbm>> -> memref<128x128xf32, #tpu.memory_space<hbm>>
            tpu.enqueue_dma source(%dma_start3A_110 : memref<128x128xf32, #tpu.memory_space<hbm>>) target(%arg6 : memref<128x128xf32, #tpu.memory_space<vmem>>) target_semaphore(%run_scoped3A : memref<!tpu.dma_semaphore, #tpu.memory_space<semaphore_mem>>)
            %dma_wait3A = arith.constant 0 : i32
            %dma_wait3A_111 = tpu.memref_slice %arg2[%add3A_107, %dma_wait3A] : memref<1600000x128xf32, #tpu.memory_space<hbm>> -> memref<128x128xf32, #tpu.memory_space<hbm>>
            %dma_wait3A_112 = arith.constant 0 : i32
            %dma_wait3A_113 = tpu.memref_slice %arg2[%add3A_107, %dma_wait3A_112] : memref<1600000x128xf32, #tpu.memory_space<hbm>> -> memref<128x128xf32, #tpu.memory_space<hbm>>
            tpu.wait_dma2 semaphore(%run_scoped3A : memref<!tpu.dma_semaphore, #tpu.memory_space<semaphore_mem>>) src(%dma_wait3A_113 : memref<128x128xf32, #tpu.memory_space<hbm>>) dst(%arg6 : memref<128x128xf32, #tpu.memory_space<vmem>>)
            tpu.yield
          }) : () -> ()
          "tpu.region"() ({
            %run_scoped3A = tpu.sem_alloc : memref<!tpu.dma_semaphore, #tpu.memory_space<semaphore_mem>>
            %dma_start3A = arith.constant 0 : i32
            %dma_start3A_108 = arith.constant 0 : i32
            %dma_start3A_109 = tpu.memref_slice %arg8[%dma_start3A, %dma_start3A_108] : memref<10240x128xf32, #tpu.memory_space<vmem_shared>> -> memref<10240x128xf32, #tpu.memory_space<vmem_shared>>
            tpu.enqueue_indirect_dma source(%arg6 : memref<128x128xf32, #tpu.memory_space<vmem>>) target(%dma_start3A_109 : memref<10240x128xf32, #tpu.memory_space<vmem_shared>>) offsets(%arg5 : memref<128xi32, #tpu.memory_space<vmem>>) semaphore(%run_scoped3A : memref<!tpu.dma_semaphore, #tpu.memory_space<semaphore_mem>>) {add = true}
            %dma_wait3A = arith.constant 0 : i32
            %dma_wait3A_110 = arith.constant 0 : i32
            %dma_wait3A_111 = tpu.memref_slice %arg8[%dma_wait3A, %dma_wait3A_110] : memref<10240x128xf32, #tpu.memory_space<vmem_shared>> -> memref<10240x128xf32, #tpu.memory_space<vmem_shared>>
            tpu.wait_indirect_dma semaphore(%run_scoped3A : memref<!tpu.dma_semaphore, #tpu.memory_space<semaphore_mem>>) src(%arg6 : memref<128x128xf32, #tpu.memory_space<vmem>>) dst(%dma_wait3A_111 : memref<10240x128xf32, #tpu.memory_space<vmem_shared>>)
            tpu.yield
          }) : () -> ()
        } else {
        }
      }
      %scan3A_57 = arith.constant 157 : i32
      %barrier3A_58 = arith.constant 0 : index
      tpu.barrier barrier_id(%barrier3A_58)
      %mul3A_59 = arith.constant 640 : i32
      %mul3A_60 = arith.muli %arg1, %mul3A_59 : i32
      %add3A_61 = arith.constant 0 : i32
      %add3A_62 = arith.addi %mul3A_60, %add3A_61 : i32
      %mul3A_63 = arith.constant 10240 : i32
      %mul3A_64 = arith.muli %add3A_24, %mul3A_63 : i32
      %add3A_65 = arith.addi %mul3A_64, %add3A_62 : i32
      "tpu.region"() ({
        %run_scoped3A = tpu.sem_alloc : memref<!tpu.dma_semaphore, #tpu.memory_space<semaphore_mem>>
        %dma_start3A = arith.constant 0 : i32
        %dma_start3A_95 = tpu.memref_slice %arg4[%add3A_65, %dma_start3A] : memref<51200x128xf32, #tpu.memory_space<hbm>> -> memref<128x128xf32, #tpu.memory_space<hbm>>
        %dma_start3A_96 = arith.constant 0 : i32
        %dma_start3A_97 = tpu.memref_slice %arg8[%add3A_62, %dma_start3A_96] : memref<10240x128xf32, #tpu.memory_space<vmem_shared>> -> memref<128x128xf32, #tpu.memory_space<vmem_shared>>
        tpu.enqueue_dma source(%dma_start3A_97 : memref<128x128xf32, #tpu.memory_space<vmem_shared>>) target(%dma_start3A_95 : memref<128x128xf32, #tpu.memory_space<hbm>>) target_semaphore(%run_scoped3A : memref<!tpu.dma_semaphore, #tpu.memory_space<semaphore_mem>>)
        %dma_wait3A = arith.constant 0 : i32
        %dma_wait3A_98 = tpu.memref_slice %arg4[%add3A_65, %dma_wait3A] : memref<51200x128xf32, #tpu.memory_space<hbm>> -> memref<128x128xf32, #tpu.memory_space<hbm>>
        %dma_wait3A_99 = arith.constant 0 : i32
        %dma_wait3A_100 = tpu.memref_slice %arg8[%add3A_62, %dma_wait3A_99] : memref<10240x128xf32, #tpu.memory_space<vmem_shared>> -> memref<128x128xf32, #tpu.memory_space<vmem_shared>>
        tpu.wait_dma2 semaphore(%run_scoped3A : memref<!tpu.dma_semaphore, #tpu.memory_space<semaphore_mem>>) src(%dma_wait3A_100 : memref<128x128xf32, #tpu.memory_space<vmem_shared>>) dst(%dma_wait3A_98 : memref<128x128xf32, #tpu.memory_space<hbm>>)
        tpu.yield
      }) : () -> ()
      %mul3A_66 = arith.constant 640 : i32
      %mul3A_67 = arith.muli %arg1, %mul3A_66 : i32
      %add3A_68 = arith.constant 128 : i32
      %add3A_69 = arith.addi %mul3A_67, %add3A_68 : i32
      %mul3A_70 = arith.constant 10240 : i32
      %mul3A_71 = arith.muli %add3A_24, %mul3A_70 : i32
      %add3A_72 = arith.addi %mul3A_71, %add3A_69 : i32
      "tpu.region"() ({
        %run_scoped3A = tpu.sem_alloc : memref<!tpu.dma_semaphore, #tpu.memory_space<semaphore_mem>>
        %dma_start3A = arith.constant 0 : i32
        %dma_start3A_95 = tpu.memref_slice %arg4[%add3A_72, %dma_start3A] : memref<51200x128xf32, #tpu.memory_space<hbm>> -> memref<128x128xf32, #tpu.memory_space<hbm>>
        %dma_start3A_96 = arith.constant 0 : i32
        %dma_start3A_97 = tpu.memref_slice %arg8[%add3A_69, %dma_start3A_96] : memref<10240x128xf32, #tpu.memory_space<vmem_shared>> -> memref<128x128xf32, #tpu.memory_space<vmem_shared>>
        tpu.enqueue_dma source(%dma_start3A_97 : memref<128x128xf32, #tpu.memory_space<vmem_shared>>) target(%dma_start3A_95 : memref<128x128xf32, #tpu.memory_space<hbm>>) target_semaphore(%run_scoped3A : memref<!tpu.dma_semaphore, #tpu.memory_space<semaphore_mem>>)
        %dma_wait3A = arith.constant 0 : i32
        %dma_wait3A_98 = tpu.memref_slice %arg4[%add3A_72, %dma_wait3A] : memref<51200x128xf32, #tpu.memory_space<hbm>> -> memref<128x128xf32, #tpu.memory_space<hbm>>
        %dma_wait3A_99 = arith.constant 0 : i32
        %dma_wait3A_100 = tpu.memref_slice %arg8[%add3A_69, %dma_wait3A_99] : memref<10240x128xf32, #tpu.memory_space<vmem_shared>> -> memref<128x128xf32, #tpu.memory_space<vmem_shared>>
        tpu.wait_dma2 semaphore(%run_scoped3A : memref<!tpu.dma_semaphore, #tpu.memory_space<semaphore_mem>>) src(%dma_wait3A_100 : memref<128x128xf32, #tpu.memory_space<vmem_shared>>) dst(%dma_wait3A_98 : memref<128x128xf32, #tpu.memory_space<hbm>>)
        tpu.yield
      }) : () -> ()
      %mul3A_73 = arith.constant 640 : i32
      %mul3A_74 = arith.muli %arg1, %mul3A_73 : i32
      %add3A_75 = arith.constant 256 : i32
      %add3A_76 = arith.addi %mul3A_74, %add3A_75 : i32
      %mul3A_77 = arith.constant 10240 : i32
      %mul3A_78 = arith.muli %add3A_24, %mul3A_77 : i32
      %add3A_79 = arith.addi %mul3A_78, %add3A_76 : i32
      "tpu.region"() ({
        %run_scoped3A = tpu.sem_alloc : memref<!tpu.dma_semaphore, #tpu.memory_space<semaphore_mem>>
        %dma_start3A = arith.constant 0 : i32
        %dma_start3A_95 = tpu.memref_slice %arg4[%add3A_79, %dma_start3A] : memref<51200x128xf32, #tpu.memory_space<hbm>> -> memref<128x128xf32, #tpu.memory_space<hbm>>
        %dma_start3A_96 = arith.constant 0 : i32
        %dma_start3A_97 = tpu.memref_slice %arg8[%add3A_76, %dma_start3A_96] : memref<10240x128xf32, #tpu.memory_space<vmem_shared>> -> memref<128x128xf32, #tpu.memory_space<vmem_shared>>
        tpu.enqueue_dma source(%dma_start3A_97 : memref<128x128xf32, #tpu.memory_space<vmem_shared>>) target(%dma_start3A_95 : memref<128x128xf32, #tpu.memory_space<hbm>>) target_semaphore(%run_scoped3A : memref<!tpu.dma_semaphore, #tpu.memory_space<semaphore_mem>>)
        %dma_wait3A = arith.constant 0 : i32
        %dma_wait3A_98 = tpu.memref_slice %arg4[%add3A_79, %dma_wait3A] : memref<51200x128xf32, #tpu.memory_space<hbm>> -> memref<128x128xf32, #tpu.memory_space<hbm>>
        %dma_wait3A_99 = arith.constant 0 : i32
        %dma_wait3A_100 = tpu.memref_slice %arg8[%add3A_76, %dma_wait3A_99] : memref<10240x128xf32, #tpu.memory_space<vmem_shared>> -> memref<128x128xf32, #tpu.memory_space<vmem_shared>>
        tpu.wait_dma2 semaphore(%run_scoped3A : memref<!tpu.dma_semaphore, #tpu.memory_space<semaphore_mem>>) src(%dma_wait3A_100 : memref<128x128xf32, #tpu.memory_space<vmem_shared>>) dst(%dma_wait3A_98 : memref<128x128xf32, #tpu.memory_space<hbm>>)
        tpu.yield
      }) : () -> ()
      %mul3A_80 = arith.constant 640 : i32
      %mul3A_81 = arith.muli %arg1, %mul3A_80 : i32
      %add3A_82 = arith.constant 384 : i32
      %add3A_83 = arith.addi %mul3A_81, %add3A_82 : i32
      %mul3A_84 = arith.constant 10240 : i32
      %mul3A_85 = arith.muli %add3A_24, %mul3A_84 : i32
      %add3A_86 = arith.addi %mul3A_85, %add3A_83 : i32
      "tpu.region"() ({
        %run_scoped3A = tpu.sem_alloc : memref<!tpu.dma_semaphore, #tpu.memory_space<semaphore_mem>>
        %dma_start3A = arith.constant 0 : i32
        %dma_start3A_95 = tpu.memref_slice %arg4[%add3A_86, %dma_start3A] : memref<51200x128xf32, #tpu.memory_space<hbm>> -> memref<128x128xf32, #tpu.memory_space<hbm>>
        %dma_start3A_96 = arith.constant 0 : i32
        %dma_start3A_97 = tpu.memref_slice %arg8[%add3A_83, %dma_start3A_96] : memref<10240x128xf32, #tpu.memory_space<vmem_shared>> -> memref<128x128xf32, #tpu.memory_space<vmem_shared>>
        tpu.enqueue_dma source(%dma_start3A_97 : memref<128x128xf32, #tpu.memory_space<vmem_shared>>) target(%dma_start3A_95 : memref<128x128xf32, #tpu.memory_space<hbm>>) target_semaphore(%run_scoped3A : memref<!tpu.dma_semaphore, #tpu.memory_space<semaphore_mem>>)
        %dma_wait3A = arith.constant 0 : i32
        %dma_wait3A_98 = tpu.memref_slice %arg4[%add3A_86, %dma_wait3A] : memref<51200x128xf32, #tpu.memory_space<hbm>> -> memref<128x128xf32, #tpu.memory_space<hbm>>
        %dma_wait3A_99 = arith.constant 0 : i32
        %dma_wait3A_100 = tpu.memref_slice %arg8[%add3A_83, %dma_wait3A_99] : memref<10240x128xf32, #tpu.memory_space<vmem_shared>> -> memref<128x128xf32, #tpu.memory_space<vmem_shared>>
        tpu.wait_dma2 semaphore(%run_scoped3A : memref<!tpu.dma_semaphore, #tpu.memory_space<semaphore_mem>>) src(%dma_wait3A_100 : memref<128x128xf32, #tpu.memory_space<vmem_shared>>) dst(%dma_wait3A_98 : memref<128x128xf32, #tpu.memory_space<hbm>>)
        tpu.yield
      }) : () -> ()
      %mul3A_87 = arith.constant 640 : i32
      %mul3A_88 = arith.muli %arg1, %mul3A_87 : i32
      %add3A_89 = arith.constant 512 : i32
      %add3A_90 = arith.addi %mul3A_88, %add3A_89 : i32
      %mul3A_91 = arith.constant 10240 : i32
      %mul3A_92 = arith.muli %add3A_24, %mul3A_91 : i32
      %add3A_93 = arith.addi %mul3A_92, %add3A_90 : i32
      "tpu.region"() ({
        %run_scoped3A = tpu.sem_alloc : memref<!tpu.dma_semaphore, #tpu.memory_space<semaphore_mem>>
        %dma_start3A = arith.constant 0 : i32
        %dma_start3A_95 = tpu.memref_slice %arg4[%add3A_93, %dma_start3A] : memref<51200x128xf32, #tpu.memory_space<hbm>> -> memref<128x128xf32, #tpu.memory_space<hbm>>
        %dma_start3A_96 = arith.constant 0 : i32
        %dma_start3A_97 = tpu.memref_slice %arg8[%add3A_90, %dma_start3A_96] : memref<10240x128xf32, #tpu.memory_space<vmem_shared>> -> memref<128x128xf32, #tpu.memory_space<vmem_shared>>
        tpu.enqueue_dma source(%dma_start3A_97 : memref<128x128xf32, #tpu.memory_space<vmem_shared>>) target(%dma_start3A_95 : memref<128x128xf32, #tpu.memory_space<hbm>>) target_semaphore(%run_scoped3A : memref<!tpu.dma_semaphore, #tpu.memory_space<semaphore_mem>>)
        %dma_wait3A = arith.constant 0 : i32
        %dma_wait3A_98 = tpu.memref_slice %arg4[%add3A_93, %dma_wait3A] : memref<51200x128xf32, #tpu.memory_space<hbm>> -> memref<128x128xf32, #tpu.memory_space<hbm>>
        %dma_wait3A_99 = arith.constant 0 : i32
        %dma_wait3A_100 = tpu.memref_slice %arg8[%add3A_90, %dma_wait3A_99] : memref<10240x128xf32, #tpu.memory_space<vmem_shared>> -> memref<128x128xf32, #tpu.memory_space<vmem_shared>>
        tpu.wait_dma2 semaphore(%run_scoped3A : memref<!tpu.dma_semaphore, #tpu.memory_space<semaphore_mem>>) src(%dma_wait3A_100 : memref<128x128xf32, #tpu.memory_space<vmem_shared>>) dst(%dma_wait3A_98 : memref<128x128xf32, #tpu.memory_space<hbm>>)
        tpu.yield
      }) : () -> ()
      %barrier3A_94 = arith.constant 0 : index
      tpu.barrier barrier_id(%barrier3A_94)
    } else {
    }
    return
  }
}

module attributes {stable_mosaic.version = 14 : i64} {
  func.func @_edge_body(%arg0: i32, %arg1: memref<2000x1xf32, #tpu.memory_space<vmem>>, %arg2: memref<2000x1xf32, #tpu.memory_space<vmem>>, %arg3: memref<2000x1xf32, #tpu.memory_space<vmem>>, %arg4: memref<20x384xf32, #tpu.memory_space<vmem>>, %arg5: memref<1x384xf32, #tpu.memory_space<vmem>>, %arg6: memref<5x2000x128xf32, #tpu.memory_space<vmem>>) attributes {dimension_semantics = [#tpu.dimension_semantics<arbitrary>], iteration_bounds = array<i64: 160>, scalar_prefetch = 0 : i64, scratch_operands = 0 : i64, tpu.core_type = #tpu.core_type<tc>, window_params = [{transform_indices = @transform_0, window_bounds = array<i64: 2000, 1>}, {transform_indices = @transform_1, window_bounds = array<i64: 2000, 1>}, {transform_indices = @transform_2, window_bounds = array<i64: 2000, 1>}, {pipeline_mode = #tpu.pipeline_mode<synchronous>, transform_indices = @transform_3, window_bounds = array<i64: 20, 384>}, {pipeline_mode = #tpu.pipeline_mode<synchronous>, transform_indices = @transform_4, window_bounds = array<i64: 1, 384>}, {transform_indices = @transform_5, window_bounds = array<i64: 5, 2000, 128>}]} {
    %get3A = arith.constant 0 : index
    %get3A_0 = arith.constant 0 : index
    %get3A_1 = vector.load %arg1[%get3A, %get3A_0] : memref<2000x1xf32, #tpu.memory_space<vmem>>, vector<2000x1xf32>
    %get3A_2 = arith.constant 0 : index
    %get3A_3 = arith.constant 0 : index
    %get3A_4 = vector.load %arg2[%get3A_2, %get3A_3] : memref<2000x1xf32, #tpu.memory_space<vmem>>, vector<2000x1xf32>
    %get3A_5 = arith.constant 0 : index
    %get3A_6 = arith.constant 0 : index
    %get3A_7 = vector.load %arg3[%get3A_5, %get3A_6] : memref<2000x1xf32, #tpu.memory_space<vmem>>, vector<2000x1xf32>
    %abs3A = math.absf %get3A_7 : vector<2000x1xf32>
    %iota3A = tpu.iota {dimensions = array<i32: 1>} : vector<1x20xi32>
    %convert_element_type3A = arith.sitofp %iota3A : vector<1x20xi32> to vector<1x20xf32>
    %add3A = arith.constant 1.000000e+00 : f32
    %add3A_8 = vector.broadcast %add3A : f32 to vector<1x20xf32>
    %add3A_9 = arith.addf %convert_element_type3A, %add3A_8 : vector<1x20xf32>
    %mul3A = arith.constant 0.628318548 : f32
    %mul3A_10 = vector.broadcast %mul3A : f32 to vector<1x20xf32>
    %mul3A_11 = arith.mulf %add3A_9, %mul3A_10 : vector<1x20xf32>
    %mul3A_12 = vector.broadcast %mul3A_11 : vector<1x20xf32> to vector<2000x20xf32>
    %mul3A_13 = vector.broadcast %abs3A : vector<2000x1xf32> to vector<2000x20xf32>
    %mul3A_14 = arith.mulf %mul3A_12, %mul3A_13 : vector<2000x20xf32>
    %sin3A = math.sin %mul3A_14 : vector<2000x20xf32>
    %add3A_15 = arith.constant 9.99999993E-9 : f32
    %add3A_16 = vector.broadcast %add3A_15 : f32 to vector<2000x1xf32>
    %add3A_17 = arith.addf %abs3A, %add3A_16 : vector<2000x1xf32>
    %div3A = vector.broadcast %add3A_17 : vector<2000x1xf32> to vector<2000x20xf32>
    %div3A_18 = arith.divf %sin3A, %div3A : vector<2000x20xf32>
    %get3A_19 = arith.constant 0 : index
    %get3A_20 = arith.constant 0 : index
    %get3A_21 = vector.load %arg4[%get3A_19, %get3A_20] : memref<20x384xf32, #tpu.memory_space<vmem>>, vector<20x384xf32>
    %dot_general3A = arith.constant dense<0.000000e+00> : vector<2000x384xf32>
    %dot_general3A_22 = tpu.matmul %div3A_18, %get3A_21, %dot_general3A {dimension_numbers = #tpu.dot_dimension_numbers<[1], [0], [0], [1], [0, 0, 1, 1], [], []>, transpose_lhs_hint = false} : vector<2000x20xf32>, vector<20x384xf32>, vector<2000x384xf32> -> vector<2000x384xf32>
    %get3A_23 = arith.constant 0 : index
    %get3A_24 = arith.constant 0 : index
    %get3A_25 = vector.load %arg5[%get3A_23, %get3A_24] : memref<1x384xf32, #tpu.memory_space<vmem>>, vector<1x384xf32>
    %add3A_26 = vector.broadcast %get3A_25 : vector<1x384xf32> to vector<2000x384xf32>
    %add3A_27 = arith.addf %dot_general3A_22, %add3A_26 : vector<2000x384xf32>
    %mul3A_28 = arith.constant 3.14159274 : f32
    %mul3A_29 = vector.broadcast %mul3A_28 : f32 to vector<2000x384xf32>
    %mul3A_30 = arith.mulf %mul3A_29, %add3A_27 : vector<2000x384xf32>
    %div3A_31 = arith.constant 5.000000e+00 : f32
    %div3A_32 = vector.broadcast %div3A_31 : f32 to vector<2000x384xf32>
    %div3A_33 = arith.divf %mul3A_30, %div3A_32 : vector<2000x384xf32>
    %cos3A = math.cos %div3A_33 : vector<2000x384xf32>
    %add3A_34 = arith.constant 1.000000e+00 : f32
    %add3A_35 = vector.broadcast %add3A_34 : f32 to vector<2000x384xf32>
    %add3A_36 = arith.addf %cos3A, %add3A_35 : vector<2000x384xf32>
    %mul3A_37 = arith.constant 5.000000e-01 : f32
    %mul3A_38 = vector.broadcast %mul3A_37 : f32 to vector<2000x384xf32>
    %mul3A_39 = arith.mulf %mul3A_38, %add3A_36 : vector<2000x384xf32>
    %lt3A = arith.constant 5.000000e+00 : f32
    %lt3A_40 = vector.broadcast %lt3A : f32 to vector<2000x384xf32>
    %lt3A_41 = arith.cmpf olt, %add3A_27, %lt3A_40 : vector<2000x384xf32>
    %jit3A = arith.constant 1.000000e+00 : f32
    %jit3A_42 = arith.constant 0.000000e+00 : f32
    %broadcast_in_dim3A = vector.broadcast %jit3A : f32 to vector<2000x384xf32>
    %broadcast_in_dim3A_43 = vector.broadcast %jit3A_42 : f32 to vector<2000x384xf32>
    %select_n3A = arith.select %lt3A_41, %broadcast_in_dim3A, %broadcast_in_dim3A_43 : vector<2000x384xi1>, vector<2000x384xf32>
    %mul3A_44 = arith.mulf %mul3A_39, %select_n3A : vector<2000x384xf32>
    %mul3A_45 = arith.mulf %get3A_1, %get3A_1 : vector<2000x1xf32>
    %mul3A_46 = arith.mulf %get3A_4, %get3A_4 : vector<2000x1xf32>
    %add3A_47 = arith.addf %mul3A_45, %mul3A_46 : vector<2000x1xf32>
    %mul3A_48 = arith.mulf %get3A_7, %get3A_7 : vector<2000x1xf32>
    %add3A_49 = arith.addf %add3A_47, %mul3A_48 : vector<2000x1xf32>
    %sqrt3A = math.sqrt %add3A_49 : vector<2000x1xf32>
    %add3A_50 = arith.constant 9.99999993E-9 : f32
    %add3A_51 = vector.broadcast %add3A_50 : f32 to vector<2000x1xf32>
    %add3A_52 = arith.addf %sqrt3A, %add3A_51 : vector<2000x1xf32>
    %div3A_53 = arith.constant 1.000000e+00 : f32
    %div3A_54 = vector.broadcast %div3A_53 : f32 to vector<2000x1xf32>
    %div3A_55 = arith.divf %div3A_54, %add3A_52 : vector<2000x1xf32>
    %slice3A = vector.extract_strided_slice %mul3A_44 {offsets = [0, 256], sizes = [2000, 128], strides = [1, 1]} : vector<2000x384xf32> to vector<2000x128xf32>
    %slice3A_56 = vector.extract_strided_slice %mul3A_44 {offsets = [0, 0], sizes = [2000, 128], strides = [1, 1]} : vector<2000x384xf32> to vector<2000x128xf32>
    %swap3A = arith.constant 0 : index
    %swap3A_57 = arith.constant 0 : index
    %swap3A_58 = arith.constant 0 : index
    %swap3A_59 = vector.load %arg6[%swap3A, %swap3A_57, %swap3A_58] : memref<5x2000x128xf32, #tpu.memory_space<vmem>>, vector<1x2000x128xf32>
    %swap3A_60 = vector.shape_cast %swap3A_59 : vector<1x2000x128xf32> to vector<2000x128xf32>
    %swap3A_61 = vector.shape_cast %slice3A_56 : vector<2000x128xf32> to vector<1x2000x128xf32>
    tpu.vector_store %arg6[%swap3A, %swap3A_57, %swap3A_58], %swap3A_61 {strides = array<i32>} : memref<5x2000x128xf32, #tpu.memory_space<vmem>>, vector<1x2000x128xf32>,
    %slice3A_62 = vector.extract_strided_slice %mul3A_44 {offsets = [0, 128], sizes = [2000, 128], strides = [1, 1]} : vector<2000x384xf32> to vector<2000x128xf32>
    %swap3A_63 = arith.constant 1 : index
    %swap3A_64 = arith.constant 0 : index
    %swap3A_65 = arith.constant 0 : index
    %swap3A_66 = vector.load %arg6[%swap3A_63, %swap3A_64, %swap3A_65] : memref<5x2000x128xf32, #tpu.memory_space<vmem>>, vector<1x2000x128xf32>
    %swap3A_67 = vector.shape_cast %swap3A_66 : vector<1x2000x128xf32> to vector<2000x128xf32>
    %swap3A_68 = vector.shape_cast %slice3A_62 : vector<2000x128xf32> to vector<1x2000x128xf32>
    tpu.vector_store %arg6[%swap3A_63, %swap3A_64, %swap3A_65], %swap3A_68 {strides = array<i32>} : memref<5x2000x128xf32, #tpu.memory_space<vmem>>, vector<1x2000x128xf32>,
    %mul3A_69 = arith.mulf %get3A_1, %div3A_55 : vector<2000x1xf32>
    %mul3A_70 = vector.broadcast %mul3A_69 : vector<2000x1xf32> to vector<2000x128xf32>
    %mul3A_71 = arith.mulf %slice3A, %mul3A_70 : vector<2000x128xf32>
    %swap3A_72 = arith.constant 2 : index
    %swap3A_73 = arith.constant 0 : index
    %swap3A_74 = arith.constant 0 : index
    %swap3A_75 = vector.load %arg6[%swap3A_72, %swap3A_73, %swap3A_74] : memref<5x2000x128xf32, #tpu.memory_space<vmem>>, vector<1x2000x128xf32>
    %swap3A_76 = vector.shape_cast %swap3A_75 : vector<1x2000x128xf32> to vector<2000x128xf32>
    %swap3A_77 = vector.shape_cast %mul3A_71 : vector<2000x128xf32> to vector<1x2000x128xf32>
    tpu.vector_store %arg6[%swap3A_72, %swap3A_73, %swap3A_74], %swap3A_77 {strides = array<i32>} : memref<5x2000x128xf32, #tpu.memory_space<vmem>>, vector<1x2000x128xf32>,
    %mul3A_78 = arith.mulf %get3A_4, %div3A_55 : vector<2000x1xf32>
    %mul3A_79 = vector.broadcast %mul3A_78 : vector<2000x1xf32> to vector<2000x128xf32>
    %mul3A_80 = arith.mulf %slice3A, %mul3A_79 : vector<2000x128xf32>
    %swap3A_81 = arith.constant 3 : index
    %swap3A_82 = arith.constant 0 : index
    %swap3A_83 = arith.constant 0 : index
    %swap3A_84 = vector.load %arg6[%swap3A_81, %swap3A_82, %swap3A_83] : memref<5x2000x128xf32, #tpu.memory_space<vmem>>, vector<1x2000x128xf32>
    %swap3A_85 = vector.shape_cast %swap3A_84 : vector<1x2000x128xf32> to vector<2000x128xf32>
    %swap3A_86 = vector.shape_cast %mul3A_80 : vector<2000x128xf32> to vector<1x2000x128xf32>
    tpu.vector_store %arg6[%swap3A_81, %swap3A_82, %swap3A_83], %swap3A_86 {strides = array<i32>} : memref<5x2000x128xf32, #tpu.memory_space<vmem>>, vector<1x2000x128xf32>,
    %mul3A_87 = arith.mulf %get3A_7, %div3A_55 : vector<2000x1xf32>
    %mul3A_88 = vector.broadcast %mul3A_87 : vector<2000x1xf32> to vector<2000x128xf32>
    %mul3A_89 = arith.mulf %slice3A, %mul3A_88 : vector<2000x128xf32>
    %swap3A_90 = arith.constant 4 : index
    %swap3A_91 = arith.constant 0 : index
    %swap3A_92 = arith.constant 0 : index
    %swap3A_93 = vector.load %arg6[%swap3A_90, %swap3A_91, %swap3A_92] : memref<5x2000x128xf32, #tpu.memory_space<vmem>>, vector<1x2000x128xf32>
    %swap3A_94 = vector.shape_cast %swap3A_93 : vector<1x2000x128xf32> to vector<2000x128xf32>
    %swap3A_95 = vector.shape_cast %mul3A_89 : vector<2000x128xf32> to vector<1x2000x128xf32>
    tpu.vector_store %arg6[%swap3A_90, %swap3A_91, %swap3A_92], %swap3A_95 {strides = array<i32>} : memref<5x2000x128xf32, #tpu.memory_space<vmem>>, vector<1x2000x128xf32>,
    return
  }
  func.func @transform_0(%arg0: i32) -> (i32, i32) {
    %c0_i32 = arith.constant 0 : i32
    %c0_i32_0 = arith.constant 0 : i32
    return %arg0, %c0_i32 : i32, i32
  }
  func.func @transform_1(%arg0: i32) -> (i32, i32) {
    %c0_i32 = arith.constant 0 : i32
    %c0_i32_0 = arith.constant 0 : i32
    return %arg0, %c0_i32 : i32, i32
  }
  func.func @transform_2(%arg0: i32) -> (i32, i32) {
    %c0_i32 = arith.constant 0 : i32
    %c0_i32_0 = arith.constant 0 : i32
    return %arg0, %c0_i32 : i32, i32
  }
  func.func @transform_3(%arg0: i32) -> (i32, i32) {
    %c0_i32 = arith.constant 0 : i32
    %c0_i32_0 = arith.constant 0 : i32
    %c0_i32_1 = arith.constant 0 : i32
    return %c0_i32, %c0_i32_0 : i32, i32
  }
  func.func @transform_4(%arg0: i32) -> (i32, i32) {
    %c0_i32 = arith.constant 0 : i32
    %c0_i32_0 = arith.constant 0 : i32
    %c0_i32_1 = arith.constant 0 : i32
    return %c0_i32, %c0_i32_0 : i32, i32
  }
  func.func @transform_5(%arg0: i32) -> (i32, i32, i32) {
    %c0_i32 = arith.constant 0 : i32
    %c0_i32_0 = arith.constant 0 : i32
    %c0_i32_1 = arith.constant 0 : i32
    return %c0_i32, %arg0, %c0_i32_0 : i32, i32, i32
  }
}

module attributes {stable_mosaic.version = 14 : i64} {
  func.func @_combine_body(%arg0: i32, %arg1: memref<2000x128xf32, #tpu.memory_space<vmem>>, %arg2: memref<3x2000x128xf32, #tpu.memory_space<vmem>>, %arg3: memref<5x2000x128xf32, #tpu.memory_space<vmem>>, %arg4: memref<128x128xf32, #tpu.memory_space<vmem>>, %arg5: memref<1x128xf32, #tpu.memory_space<vmem>>, %arg6: memref<128x384xf32, #tpu.memory_space<vmem>>, %arg7: memref<1x384xf32, #tpu.memory_space<vmem>>, %arg8: memref<3x2000x128xf32, #tpu.memory_space<vmem>>, %arg9: memref<2000x128xf32, #tpu.memory_space<vmem>>) attributes {dimension_semantics = [#tpu.dimension_semantics<arbitrary>], iteration_bounds = array<i64: 5>, scalar_prefetch = 0 : i64, scratch_operands = 0 : i64, tpu.core_type = #tpu.core_type<tc>, window_params = [{transform_indices = @transform_0, window_bounds = array<i64: 2000, 128>}, {transform_indices = @transform_1, window_bounds = array<i64: 3, 2000, 128>}, {transform_indices = @transform_2, window_bounds = array<i64: 5, 2000, 128>}, {pipeline_mode = #tpu.pipeline_mode<synchronous>, transform_indices = @transform_3, window_bounds = array<i64: 128, 128>}, {pipeline_mode = #tpu.pipeline_mode<synchronous>, transform_indices = @transform_4, window_bounds = array<i64: 1, 128>}, {pipeline_mode = #tpu.pipeline_mode<synchronous>, transform_indices = @transform_5, window_bounds = array<i64: 128, 384>}, {pipeline_mode = #tpu.pipeline_mode<synchronous>, transform_indices = @transform_6, window_bounds = array<i64: 1, 384>}, {transform_indices = @transform_7, window_bounds = array<i64: 3, 2000, 128>}, {transform_indices = @transform_8, window_bounds = array<i64: 2000, 128>}]} {
    %get3A = arith.constant 0 : index
    %get3A_0 = arith.constant 0 : index
    %get3A_1 = vector.load %arg1[%get3A, %get3A_0] : memref<2000x128xf32, #tpu.memory_space<vmem>>, vector<2000x128xf32>
    %get3A_2 = arith.constant 0 : index
    %get3A_3 = arith.constant 0 : index
    %get3A_4 = vector.load %arg4[%get3A_2, %get3A_3] : memref<128x128xf32, #tpu.memory_space<vmem>>, vector<128x128xf32>
    %dot_general3A = arith.constant dense<0.000000e+00> : vector<2000x128xf32>
    %dot_general3A_5 = tpu.matmul %get3A_1, %get3A_4, %dot_general3A {dimension_numbers = #tpu.dot_dimension_numbers<[1], [0], [0], [1], [0, 0, 1, 1], [], []>, transpose_lhs_hint = false} : vector<2000x128xf32>, vector<128x128xf32>, vector<2000x128xf32> -> vector<2000x128xf32>
    %get3A_6 = arith.constant 0 : index
    %get3A_7 = arith.constant 0 : index
    %get3A_8 = vector.load %arg5[%get3A_6, %get3A_7] : memref<1x128xf32, #tpu.memory_space<vmem>>, vector<1x128xf32>
    %add3A = vector.broadcast %get3A_8 : vector<1x128xf32> to vector<2000x128xf32>
    %add3A_9 = arith.addf %dot_general3A_5, %add3A : vector<2000x128xf32>
    %neg3A = arith.constant 0.000000e+00 : f32
    %neg3A_10 = vector.broadcast %neg3A : f32 to vector<2000x128xf32>
    %neg3A_11 = arith.subf %neg3A_10, %add3A_9 : vector<2000x128xf32>
    %exp3A = math.exp %neg3A_11 : vector<2000x128xf32>
    %add3A_12 = arith.constant 1.000000e+00 : f32
    %add3A_13 = vector.broadcast %add3A_12 : f32 to vector<2000x128xf32>
    %add3A_14 = arith.addf %add3A_13, %exp3A : vector<2000x128xf32>
    %div3A = arith.constant 1.000000e+00 : f32
    %div3A_15 = vector.broadcast %div3A : f32 to vector<2000x128xf32>
    %div3A_16 = arith.divf %div3A_15, %add3A_14 : vector<2000x128xf32>
    %mul3A = arith.mulf %add3A_9, %div3A_16 : vector<2000x128xf32>
    %get3A_17 = arith.constant 0 : index
    %get3A_18 = arith.constant 0 : index
    %get3A_19 = vector.load %arg6[%get3A_17, %get3A_18] : memref<128x384xf32, #tpu.memory_space<vmem>>, vector<128x384xf32>
    %dot_general3A_20 = arith.constant dense<0.000000e+00> : vector<2000x384xf32>
    %dot_general3A_21 = tpu.matmul %mul3A, %get3A_19, %dot_general3A_20 {dimension_numbers = #tpu.dot_dimension_numbers<[1], [0], [0], [1], [0, 0, 1, 1], [], []>, transpose_lhs_hint = false} : vector<2000x128xf32>, vector<128x384xf32>, vector<2000x384xf32> -> vector<2000x384xf32>
    %get3A_22 = arith.constant 0 : index
    %get3A_23 = arith.constant 0 : index
    %get3A_24 = vector.load %arg7[%get3A_22, %get3A_23] : memref<1x384xf32, #tpu.memory_space<vmem>>, vector<1x384xf32>
    %add3A_25 = vector.broadcast %get3A_24 : vector<1x384xf32> to vector<2000x384xf32>
    %add3A_26 = arith.addf %dot_general3A_21, %add3A_25 : vector<2000x384xf32>
    %slice3A = vector.extract_strided_slice %add3A_26 {offsets = [0, 0], sizes = [2000, 128], strides = [1, 1]} : vector<2000x384xf32> to vector<2000x128xf32>
    %slice3A_27 = vector.extract_strided_slice %add3A_26 {offsets = [0, 128], sizes = [2000, 128], strides = [1, 1]} : vector<2000x384xf32> to vector<2000x128xf32>
    %slice3A_28 = vector.extract_strided_slice %add3A_26 {offsets = [0, 256], sizes = [2000, 128], strides = [1, 1]} : vector<2000x384xf32> to vector<2000x128xf32>
    %get3A_29 = arith.constant 1 : index
    %get3A_30 = arith.constant 0 : index
    %get3A_31 = arith.constant 0 : index
    %get3A_32 = vector.load %arg3[%get3A_29, %get3A_30, %get3A_31] : memref<5x2000x128xf32, #tpu.memory_space<vmem>>, vector<1x2000x128xf32>
    %get3A_33 = vector.shape_cast %get3A_32 : vector<1x2000x128xf32> to vector<2000x128xf32>
    %mul3A_34 = arith.mulf %slice3A_27, %get3A_33 : vector<2000x128xf32>
    %swap3A = arith.constant 0 : index
    %swap3A_35 = arith.constant 0 : index
    %swap3A_36 = vector.load %arg9[%swap3A, %swap3A_35] : memref<2000x128xf32, #tpu.memory_space<vmem>>, vector<2000x128xf32>
    tpu.vector_store %arg9[%swap3A, %swap3A_35], %mul3A_34 {strides = array<i32>} : memref<2000x128xf32, #tpu.memory_space<vmem>>, vector<2000x128xf32>,
    %get3A_37 = arith.constant 0 : index
    %get3A_38 = arith.constant 0 : index
    %get3A_39 = arith.constant 0 : index
    %get3A_40 = vector.load %arg3[%get3A_37, %get3A_38, %get3A_39] : memref<5x2000x128xf32, #tpu.memory_space<vmem>>, vector<1x2000x128xf32>
    %get3A_41 = vector.shape_cast %get3A_40 : vector<1x2000x128xf32> to vector<2000x128xf32>
    %mul3A_42 = arith.mulf %slice3A, %get3A_41 : vector<2000x128xf32>
    %get3A_43 = arith.constant 0 : index
    %get3A_44 = arith.constant 0 : index
    %get3A_45 = arith.constant 0 : index
    %get3A_46 = vector.load %arg2[%get3A_43, %get3A_44, %get3A_45] : memref<3x2000x128xf32, #tpu.memory_space<vmem>>, vector<1x2000x128xf32>
    %get3A_47 = vector.shape_cast %get3A_46 : vector<1x2000x128xf32> to vector<2000x128xf32>
    %mul3A_48 = arith.mulf %get3A_47, %mul3A_42 : vector<2000x128xf32>
    %get3A_49 = arith.constant 2 : index
    %get3A_50 = arith.constant 0 : index
    %get3A_51 = arith.constant 0 : index
    %get3A_52 = vector.load %arg3[%get3A_49, %get3A_50, %get3A_51] : memref<5x2000x128xf32, #tpu.memory_space<vmem>>, vector<1x2000x128xf32>
    %get3A_53 = vector.shape_cast %get3A_52 : vector<1x2000x128xf32> to vector<2000x128xf32>
    %mul3A_54 = arith.mulf %slice3A_28, %get3A_53 : vector<2000x128xf32>
    %add3A_55 = arith.addf %mul3A_48, %mul3A_54 : vector<2000x128xf32>
    %swap3A_56 = arith.constant 0 : index
    %swap3A_57 = arith.constant 0 : index
    %swap3A_58 = arith.constant 0 : index
    %swap3A_59 = vector.load %arg8[%swap3A_56, %swap3A_57, %swap3A_58] : memref<3x2000x128xf32, #tpu.memory_space<vmem>>, vector<1x2000x128xf32>
    %swap3A_60 = vector.shape_cast %swap3A_59 : vector<1x2000x128xf32> to vector<2000x128xf32>
    %swap3A_61 = vector.shape_cast %add3A_55 : vector<2000x128xf32> to vector<1x2000x128xf32>
    tpu.vector_store %arg8[%swap3A_56, %swap3A_57, %swap3A_58], %swap3A_61 {strides = array<i32>} : memref<3x2000x128xf32, #tpu.memory_space<vmem>>, vector<1x2000x128xf32>,
    %get3A_62 = arith.constant 1 : index
    %get3A_63 = arith.constant 0 : index
    %get3A_64 = arith.constant 0 : index
    %get3A_65 = vector.load %arg2[%get3A_62, %get3A_63, %get3A_64] : memref<3x2000x128xf32, #tpu.memory_space<vmem>>, vector<1x2000x128xf32>
    %get3A_66 = vector.shape_cast %get3A_65 : vector<1x2000x128xf32> to vector<2000x128xf32>
    %mul3A_67 = arith.mulf %get3A_66, %mul3A_42 : vector<2000x128xf32>
    %get3A_68 = arith.constant 3 : index
    %get3A_69 = arith.constant 0 : index
    %get3A_70 = arith.constant 0 : index
    %get3A_71 = vector.load %arg3[%get3A_68, %get3A_69, %get3A_70] : memref<5x2000x128xf32, #tpu.memory_space<vmem>>, vector<1x2000x128xf32>
    %get3A_72 = vector.shape_cast %get3A_71 : vector<1x2000x128xf32> to vector<2000x128xf32>
    %mul3A_73 = arith.mulf %slice3A_28, %get3A_72 : vector<2000x128xf32>
    %add3A_74 = arith.addf %mul3A_67, %mul3A_73 : vector<2000x128xf32>
    %swap3A_75 = arith.constant 1 : index
    %swap3A_76 = arith.constant 0 : index
    %swap3A_77 = arith.constant 0 : index
    %swap3A_78 = vector.load %arg8[%swap3A_75, %swap3A_76, %swap3A_77] : memref<3x2000x128xf32, #tpu.memory_space<vmem>>, vector<1x2000x128xf32>
    %swap3A_79 = vector.shape_cast %swap3A_78 : vector<1x2000x128xf32> to vector<2000x128xf32>
    %swap3A_80 = vector.shape_cast %add3A_74 : vector<2000x128xf32> to vector<1x2000x128xf32>
    tpu.vector_store %arg8[%swap3A_75, %swap3A_76, %swap3A_77], %swap3A_80 {strides = array<i32>} : memref<3x2000x128xf32, #tpu.memory_space<vmem>>, vector<1x2000x128xf32>,
    %get3A_81 = arith.constant 2 : index
    %get3A_82 = arith.constant 0 : index
    %get3A_83 = arith.constant 0 : index
    %get3A_84 = vector.load %arg2[%get3A_81, %get3A_82, %get3A_83] : memref<3x2000x128xf32, #tpu.memory_space<vmem>>, vector<1x2000x128xf32>
    %get3A_85 = vector.shape_cast %get3A_84 : vector<1x2000x128xf32> to vector<2000x128xf32>
    %mul3A_86 = arith.mulf %get3A_85, %mul3A_42 : vector<2000x128xf32>
    %get3A_87 = arith.constant 4 : index
    %get3A_88 = arith.constant 0 : index
    %get3A_89 = arith.constant 0 : index
    %get3A_90 = vector.load %arg3[%get3A_87, %get3A_88, %get3A_89] : memref<5x2000x128xf32, #tpu.memory_space<vmem>>, vector<1x2000x128xf32>
    %get3A_91 = vector.shape_cast %get3A_90 : vector<1x2000x128xf32> to vector<2000x128xf32>
    %mul3A_92 = arith.mulf %slice3A_28, %get3A_91 : vector<2000x128xf32>
    %add3A_93 = arith.addf %mul3A_86, %mul3A_92 : vector<2000x128xf32>
    %swap3A_94 = arith.constant 2 : index
    %swap3A_95 = arith.constant 0 : index
    %swap3A_96 = arith.constant 0 : index
    %swap3A_97 = vector.load %arg8[%swap3A_94, %swap3A_95, %swap3A_96] : memref<3x2000x128xf32, #tpu.memory_space<vmem>>, vector<1x2000x128xf32>
    %swap3A_98 = vector.shape_cast %swap3A_97 : vector<1x2000x128xf32> to vector<2000x128xf32>
    %swap3A_99 = vector.shape_cast %add3A_93 : vector<2000x128xf32> to vector<1x2000x128xf32>
    tpu.vector_store %arg8[%swap3A_94, %swap3A_95, %swap3A_96], %swap3A_99 {strides = array<i32>} : memref<3x2000x128xf32, #tpu.memory_space<vmem>>, vector<1x2000x128xf32>,
    return
  }
  func.func @transform_0(%arg0: i32) -> (i32, i32) {
    %c0_i32 = arith.constant 0 : i32
    %c0_i32_0 = arith.constant 0 : i32
    return %arg0, %c0_i32 : i32, i32
  }
  func.func @transform_1(%arg0: i32) -> (i32, i32, i32) {
    %c0_i32 = arith.constant 0 : i32
    %c0_i32_0 = arith.constant 0 : i32
    %c0_i32_1 = arith.constant 0 : i32
    return %c0_i32, %arg0, %c0_i32_0 : i32, i32, i32
  }
  func.func @transform_2(%arg0: i32) -> (i32, i32, i32) {
    %c0_i32 = arith.constant 0 : i32
    %c0_i32_0 = arith.constant 0 : i32
    %c0_i32_1 = arith.constant 0 : i32
    return %c0_i32, %arg0, %c0_i32_0 : i32, i32, i32
  }
  func.func @transform_3(%arg0: i32) -> (i32, i32) {
    %c0_i32 = arith.constant 0 : i32
    %c0_i32_0 = arith.constant 0 : i32
    %c0_i32_1 = arith.constant 0 : i32
    return %c0_i32, %c0_i32_0 : i32, i32
  }
  func.func @transform_4(%arg0: i32) -> (i32, i32) {
    %c0_i32 = arith.constant 0 : i32
    %c0_i32_0 = arith.constant 0 : i32
    %c0_i32_1 = arith.constant 0 : i32
    return %c0_i32, %c0_i32_0 : i32, i32
  }
  func.func @transform_5(%arg0: i32) -> (i32, i32) {
    %c0_i32 = arith.constant 0 : i32
    %c0_i32_0 = arith.constant 0 : i32
    %c0_i32_1 = arith.constant 0 : i32
    return %c0_i32, %c0_i32_0 : i32, i32
  }
  func.func @transform_6(%arg0: i32) -> (i32, i32) {
    %c0_i32 = arith.constant 0 : i32
    %c0_i32_0 = arith.constant 0 : i32
    %c0_i32_1 = arith.constant 0 : i32
    return %c0_i32, %c0_i32_0 : i32, i32
  }
  func.func @transform_7(%arg0: i32) -> (i32, i32, i32) {
    %c0_i32 = arith.constant 0 : i32
    %c0_i32_0 = arith.constant 0 : i32
    %c0_i32_1 = arith.constant 0 : i32
    return %c0_i32, %arg0, %c0_i32_0 : i32, i32, i32
  }
  func.func @transform_8(%arg0: i32) -> (i32, i32) {
    %c0_i32 = arith.constant 0 : i32
    %c0_i32_0 = arith.constant 0 : i32
    return %arg0, %c0_i32 : i32, i32
  }
}

</mosaic_0001>

<sc_bundles>
// kernel: kernel.5.cloned.1.call-start
scs
__scs_entry_jumppad:
0x0: {  	(pc) =	sbr.rel $0x88, $3  }
0x1: {  	(tag) =	ssettag $0x0;
	lr =	simm.s32 $0x1  }
0x2: {  	[smem:$0x3F98] =	sst lr;
	_ =	strace $0xD0000000  }
0x3: {  	_ = 	snop  }
0x4: {  	_ = 	snop  }
0x5: {  	_ = 	snop  }
0x6: {  	_ = 	snop  }
0x7: {  	_ = 	snop  }
__scs_overlays_trampoline_lowered:
0x8: {  	[smem:$0x3FA7] =	sst s0  }
0x9: {  	[smem:$0x3FA8] =	sst s1  }
0xa: {  	[smem:$0x3FA9] =	sst s2  }
0xb: {  	[smem:$0x3FAA] =	sst s3  }
0xc: {  	[smem:$0x3FAB] =	sst s4  }
0xd: {  	[smem:$0x3FAC] =	sst s5  }
0xe: {  	[smem:$0x3FAD] =	sst s6  }
0xf: {  	[smem:$0x3FAE] =	sst s7  }
0x10: {  	[smem:$0x3FAF] =	sst s8  }
0x11: {  	[smem:$0x3FB0] =	sst s9;
	s0 =	simm.s32 @!p0 $0x0  }
0x12: {  	s1 =	sld [smem:$0x3F96];
	s0 =	simm.s32 @p0 $0x1  }
0x13: {  	[smem:$0x3FB1] =	sst s0;
	s0 =	simm.s32 @!p1 $0x0  }
0x14: {  	s2 =	sld [smem:$0x3F95];
	s0 =	simm.s32 @p1 $0x1  }
0x15: {  	[smem:$0x3FB2] =	sst s0;
	s0 =	simm.s32 @!p2 $0x0  }
0x16: {  	s3 =	sld [smem:$0x3FDB];
	s0 =	simm.s32 @p2 $0x1  }
0x17: {  	s4 =	simm.s32 $0x1BF5;
	[smem:$0x3FB4] =	sst s0  }
0x18: {  	s0 =	sld [smem:$0x3F97];
	_ =	swait.ge [sflag:s4], $0x0  }
0x19: {  	s7 =	sld [smem:$0x3F98]  }
0x1a: {  	s8 =	sadd.s32 $0xFFFFE003, lr  }
0x1b: {  	s9 =	sadd.s32 $0xFFFFFEF7, lr;
	s5 =	simm.s32 $0xFFFFFFFF;
	p2 =	slt.u32 s8, $0xFFFFF086  }
0x1c: {  	p1 =	slt.u32 s9, $0xF7A;
	s5 =	simm.s32 @!p2 $0x0  }
0x1d: {  	s5 =	simm.s32 @p1 $0x1;
	p0 =	seq.s32 s7, s2  }
0x1e: {  	s7 =	smul.u32 @!p0 $0xF7A, s2;
	p2 =	seq.s32 @!p0 s5, $0x0  }
0x1f: {  	s9 =	smul.u32 $0xF7A, s1;
	s8 =	simm.s32 @!p0 $0x1BF5;
	p2 =	por !p2, p0  }
0x20: {  	[sflag:s8] =	ssyncset.s32 @!p0 $0xFFFFF086;
	s6 =	sadd.s32 @!p0 s3, s7;
	s7 =	simm.s32 @!p0 $0x108  }
0x21: {  	s3 =	sadd.s32 s3, s9;
	s6 =	sadd.s32 @!p0 $0x88, s6;
	s7 =	simm.s32 @p2 $0x1082  }
0x22: {  	[simem:s7], [sflag:s8] =	dma.local @!p0 [hbm:s6], $0xF7A  }
0x23: {  	s9 =	sor.u32 $0xD0000000, s2;
	s6 =	simm.s32 $0x108;
	_ =	swait.ge @!p0 [sflag:s8], $0x0  }
0x24: {  	s3 =	sadd.s32 $0x88, s3;
	s6 =	simm.s32 @!p1 $0x1082;
	[sflag:s4] =	ssyncset.s32 $0xFFFFF086  }
0x25: {  	[simem:s6], [sflag:s4] =	dma.local [hbm:s3], $0xF7A  }
0x26: {  	[smem:$0x3F98] =	sst s1;
	(tag) =	ssettag s2;
	_ =	strace s9  }
0x27: {  	s1 =	sld [smem:$0x3FA8]  }
0x28: {  	s2 =	sld [smem:$0x3FA9]  }
0x29: {  	s4 =	sld [smem:$0x3FAB]  }
0x2a: {  	p0 =	seq.s32 s5, $0x0;
	s5 =	sld [smem:$0x3FAC]  }
0x2b: {  	s6 =	sld [smem:$0x3FAD]  }
0x2c: {  	s7 =	sld [smem:$0x3FAE]  }
0x2d: {  	s3 =	simm.s32 $0x108;
	s8 =	sld [smem:$0x3FAF]  }
0x2e: {  	s3 =	simm.s32 @!p0 $0x1082;
	s9 =	sld [smem:$0x3FB0]  }
0x2f: {  	lr =	sadd.s32 s0, s3;
	s0 =	sld [smem:$0x3FA7]  }
0x30: {  	s3 =	sld [smem:$0x3FAA]  }
0x31: {  	[smem:$0x3FB3] =	sst s10  }
0x32: {  	s10 =	sld [smem:$0x3FB1];
	_ =	sdelay $0x3  }
0x33: {  	p0 =	seq.s32 s10, $0x1;
	s10 =	sld [smem:$0x3FB3];
	_ =	sdelay $0x3  }
0x34: {  	[smem:$0x3FB3] =	sst s10  }
0x35: {  	s10 =	sld [smem:$0x3FB2];
	_ =	sdelay $0x3  }
0x36: {  	p1 =	seq.s32 s10, $0x1;
	s10 =	sld [smem:$0x3FB3];
	_ =	sdelay $0x3  }
0x37: {  	[smem:$0x3FB3] =	sst s10  }
0x38: {  	s10 =	sld [smem:$0x3FB4]  }
0x39: {  	_ = 	snop;
	(pc) =	sbr.ind lr, $3  }
0x3a: {  	_ = 	snop  }
0x3b: {  	_ = 	snop  }
0x3c: {  	p2 =	seq.s32 s10, $0x1;
	s10 =	sld [smem:$0x3FB3]  }
0x3d: {  	_ =	shalt  }
0x3e: {  	_ =	shalt  }
0x3f: {  	_ =	shalt  }
0x40: {  	_ =	shalt  }
0x41: {  	_ =	shalt  }
0x42: {  	_ =	shalt  }
0x43: {  	_ =	shalt  }
0x44: {  	_ =	shalt  }
0x45: {  	_ =	shalt  }
0x46: {  	_ =	shalt  }
0x47: {  	_ =	shalt  }
0x48: {  	_ =	shalt  }
0x49: {  	_ =	shalt  }
0x4a: {  	_ =	shalt  }
0x4b: {  	_ =	shalt  }
0x4c: {  	_ =	shalt  }
0x4d: {  	_ =	shalt  }
0x4e: {  	_ =	shalt  }
0x4f: {  	_ =	shalt  }
0x50: {  	_ =	shalt  }
0x51: {  	_ =	shalt  }
0x52: {  	_ =	shalt  }
0x53: {  	_ =	shalt  }
0x54: {  	_ =	shalt  }
0x55: {  	_ =	shalt  }
0x56: {  	_ =	shalt  }
0x57: {  	_ =	shalt  }
0x58: {  	_ =	shalt  }
0x59: {  	_ =	shalt  }
0x5a: {  	_ =	shalt  }
0x5b: {  	_ =	shalt  }
0x5c: {  	_ =	shalt  }
0x5d: {  	_ =	shalt  }
0x5e: {  	_ =	shalt  }
0x5f: {  	_ =	shalt  }
0x60: {  	_ =	shalt  }
0x61: {  	_ =	shalt  }
0x62: {  	_ =	shalt  }
0x63: {  	_ =	shalt  }
0x64: {  	_ =	shalt  }
0x65: {  	_ =	shalt  }
0x66: {  	_ =	shalt  }
0x67: {  	_ =	shalt  }
0x68: {  	_ =	shalt  }
0x69: {  	_ =	shalt  }
0x6a: {  	_ =	shalt  }
0x6b: {  	_ =	shalt  }
0x6c: {  	_ =	shalt  }
0x6d: {  	_ =	shalt  }
0x6e: {  	_ =	shalt  }
0x6f: {  	_ =	shalt  }
0x70: {  	_ =	shalt  }
0x71: {  	_ =	shalt  }
0x72: {  	_ =	shalt  }
0x73: {  	_ =	shalt  }
0x74: {  	_ =	shalt  }
0x75: {  	_ =	shalt  }
0x76: {  	_ =	shalt  }
0x77: {  	_ =	shalt  }
0x78: {  	_ =	shalt  }
0x79: {  	_ =	shalt  }
0x7a: {  	_ =	shalt  }
0x7b: {  	_ =	shalt  }
0x7c: {  	_ =	shalt  }
0x7d: {  	_ =	shalt  }
0x7e: {  	_ =	shalt  }
0x7f: {  	_ =	shalt  }
0x80: {  	_ =	shalt  }
0x81: {  	_ =	shalt  }
0x82: {  	_ =	shalt  }
0x83: {  	_ =	shalt  }
0x84: {  	_ =	shalt  }
0x85: {  	_ =	shalt  }
0x86: {  	_ =	shalt  }
0x87: {  	_ =	shalt  }
.Lfunc_end0:
.L_simem_size_0:
called_computation_lowered:
.L_overlay_start_0:
0x88: {  	s2 =	sld [smem:$0x3FD9]  }
0x89: {  	s3 =	sld [smem:$0x3FFE];
	_ =	sdelay $0x1  }
0x8a: {  	s1 =	srdreg.scid  }
0x8b: {  	s0 =	sand.u32 $0x1, s1  }
0x8c: {  	s14 =	sshll.u32 s0, $0xA;
	s2 =	sadd.s32 s3, s2  }
0x8d: {  	s2 =	sadd.s32 s2, s14  }
0x8e: {  	[smem:$0x3FBF] =	sst s2  }
0x8f: {  	_ = 	snop  }
0x90: {  	s2 =	sld [smem:$0x3FD0];
	_ =	sdelay $0x2  }
0x91: {  	s15 =	simm.s32 $0xA;
	s4 =	simm.s32 $0x10  }
0x92: {  	[smem:s4], [sflag:s15] =	dma.local [hbm:s2], $0x1  }
0x93: {  	_ =	swait.eq [sflag:s15], $0x1  }
0x94: {  	[sflag:s15] =	ssyncset.done $0x0  }
0x95: {  	[sflag:s15] =	ssyncadd.s32 $0xFFFFFFFF  }
0x96: {  	s16 =	sld [smem:$0x11];
	(tm) =	ssettm $0x1  }
0x97: {  	s17 =	sld [smem:$0x3FFB];
	_ =	sdelay $0x3  }
0x98: {  	_ =	strace s17  }
0x99: {  	s3 =	sld [smem:$0x3FFC];
	_ =	sdelay $0x3  }
0x9a: {  	_ =	strace s3  }
0x9b: {  	s3 =	sld [smem:$0x3FFD];
	_ =	sdelay $0x3  }
0x9c: {  	_ =	strace s3  }
0x9d: {  	_ =	strace $0x8FFFFFFF  }
0x9e: {  	s18 =	sld [smem:$0x3FDB];
	_ =	sdelay $0x1  }
0x9f: {  	s19 =	simm.s32 $_scs_section_size  }
0xa0: {  	s5 =	simm.s32 $_size__tile_overlayer_lowered;
	s6 =	simm.s32 $_tile_overlayer_lowered  }
0xa1: {  	s22 =	simm.s32 $0x1BFF;
	s21 =	sshll.u32 s6, $0x1;
	s3 =	sadd.s32 s19, s18  }
0xa2: {  	s7 =	simm.s32 $0x0;
	s20 =	sshll.u32 s5, $0x1;
	s5 =	sadd.s32 s21, s3  }
0xa3: {  	[timem:s7], [sflag:s22] =	dma.local [hbm:s5], s20  }
0xa4: {  	_ =	swait.ge [sflag:s22], s20  }
0xa5: {  	s4 =	ssub.s32 $0x0, s20;
	[sflag:s22] =	ssyncset.done $0x0  }
0xa6: {  	[sflag:s22] =	ssyncadd.s32 s4;
	_ =	sdelay $0x1  }
0xa7: {  	s23 =	simm.s32 $0x1B8B  }
0xa8: {  	_ =	swait.ge [sflag:s23], $0x1  }
0xa9: {  	[sflag:s23] =	ssyncset.done $0x0  }
0xaa: {  	s25 =	simm.s32 $0x1B8E;
	s24 =	sld [smem:$0x3FFE];
	[sflag:s23] =	ssyncadd.s32 $0xFFFFFFFF  }
0xab: {  	s26 =	simm.s32 $execute0_lowered;
	[smem:$0x3FD2] =	sst s25  }
0xac: {  	s5 =	sshll.u32 s26, $0x1;
	_ =	strace $0x80000046;
	[dreg:$0x1] =	wrdreg $0xFFFFFFFF  }
0xad: {  	s28 =	simm.s32 $_size_execute0_lowered;
	s3 =	sadd.s32 s3, s5;
	[dreg:$0x0] =	wrdreg $0x0  }
0xae: {  	s5 =	sshll.u32 s28, $0x1;
	[dreg:$0x2] =	wrdreg s3  }
0xaf: {  	[dreg:$0x3] =	wrdreg s5  }
0xb0: {  	[dreg:$0x4] =	wrdreg $0xC0  }
0xb1: {  	_ =	task [dreg:s7], $0x5FFFF  }
0xb2: {  	[dreg:$0x1] =	wrdreg $0xFFFFFFFF  }
0xb3: {  	[dreg:$0x0] =	wrdreg $0x60  }
0xb4: {  	[dreg:$0x2] =	wrdreg s24  }
0xb5: {  	[dreg:$0x3] =	wrdreg s16  }
0xb6: {  	[dreg:$0x4] =	wrdreg $0x80800  }
0xb7: {  	[dreg:$0x5] =	wrdreg $0x9  }
0xb8: {  	_ =	task.clear_ibuf [dreg:s7], $0x6FFFF;
	_ =	strace $0x90000046  }
0xb9: {  	s29 =	simm.s32 $0x9;
	_ =	strace $0x80000048  }
0xba: {  	_ =	swait.ge [sflag:s29], $0x1  }
0xbb: {  	[sflag:s29] =	ssyncadd.s32 $0xFFFFFFFF  }
0xbc: {  	_ =	strace $0x90000048  }
0xbd: {  	_ =	sfence  }
0xbe: {  	s30 =	sld [smem:$0x0];
	_ =	sdelay $0x2  }
0xbf: {  	s31 =	sshll.u32 s1, $0xD;
	s1 =	sshrl.u32 s1, $0x2  }
0xc0: {  	s3 =	sand.u32 $0x4000, s31;
	s1 =	sadd.s32 s1, s30  }
0xc1: {  	s0 =	sor.u32 s3, s0;
	s1 =	sshll.u32 s1, $0x11  }
0xc2: {  	s0 =	sor.u32 s1, s0  }
0xc3: {  	s0 =	sadd.s32 $0x8F2B, s0  }
0xc4: {  	[sflag:s0] =	ssyncadd.remote.s32 $0x1  }
0xc5: {  	_ =	sfence.sel $0xFFFF  }
0xc6: {  	[dreg:$0x0] =	wrdreg $0xFFFFFFFF;
	(pc) =	sbr.abs _section_cstart, $3  }
0xc7: {  	[dreg:$0x1] =	wrdreg $0xFFFFFFFF  }
0xc8: {  	_ =	task.clear_ibuf [dreg:s7], $0x2FFFF;
	_ =	strace $0x9FFFFFFF  }
0xc9: {  	(tm) =	ssettm $0x7FFFFFFF  }
tec
execute0_lowered:
.L_overlay_start_1:
0x0: {  	(tag) =	ssettag $0x1  }
0x1: {  	s4 =	rddreg [dreg:$0x0]  }
0x2: {  	s5 =	rddreg [dreg:$0x1]  }
0x3: {  	s2 =	rddreg [dreg:$0x2]  }
0x4: {  	s0 =	srdreg.scid;
	s1 =	stileid.u32  }
0x5: {  	s3 =	simm.s32 $0x0;
	s30 =	simm.s32 $0x4080;
	s7 =	smul.u32 $0x280, s1  }
0x6: {  	s31 =	simm.s32 $0x1;
	s0 =	sand.u32 $0x1, s0;
	s15 =	smul.u32 $0x14000, s1  }
0x7: {  	s17 =	sadd.s32 $0xEA7400, s4;
	s4 =	sadd.s32 $0x1400, s4;
	s9 =	smul.u32 $0x7800, s0  }
0x8: {  	[smem:$0x7FF] =	sst s3;
	s6 =	ssub.s32 $0x2, s0;
	s14 =	smul.u32 $0x7530000, s0  }
0x9: {  	p0 =	sne.s32 s0, $0x0;
	s8 =	sshrl.u32 s6, $0x1;
	s19 =	sadd.s32 $0x100, s7  }
0xa: {  	s20 =	sadd.s32 $0x180, s7;
	s21 =	sadd.s32 $0x200, s7;
	s15 =	sshrl.u32 s15, $0x3  }
0xb: {  	s22 =	ssub.s32 s6, s8;
	s6 =	sadd.s32 $0x80, s7;
	s16 =	sadd.s32 s7, s9  }
0xc: {  	s10 =	sadd.s32 s9, s19;
	s11 =	sadd.s32 s9, s20;
	s25 =	sadd.s32 s9, s21  }
0xd: {  	s12 =	sadd.s32 $0x2800, s9;
	s8 =	sshll.u32 s16, $0x4;
	s18 =	sadd.s32 s9, s6  }
0xe: {  	s10 =	sshll.u32 s10, $0x4;
	s24 =	sshll.u32 s11, $0x4;
	s7 =	sadd.s32 s7, s12  }
0xf: {  	s9 =	sadd.s32 s6, s12;
	s13 =	sadd.s32 s20, s12;
	s11 =	sadd.s32 s21, s12  }
0x10: {  	s16 =	sshll.u32 s1, $0x4;
	s6 =	sshll.u32 s6, $0x7;
	s28 =	smax.u32 s22, $0x1  }
0x11: {  	s8 =	sadd.s32 s4, s8;
	s23 =	sadd.s32 s4, s10;
	s7 =	sshll.u32 s7, $0x4  }
0x12: {  	s26 =	sshll.u32 s9, $0x4;
	s9 =	sadd.s32 s19, s12;
	s10 =	sshll.u32 s13, $0x4  }
0x13: {  	s13 =	sshll.u32 s11, $0x4;
	[dreg:$0x4] =	wrdreg s8;
	s8 =	sshll.u32 s18, $0x4  }
0x14: {  	[dreg:$0x6] =	wrdreg s23;
	s7 =	sadd.s32 s4, s7;
	s12 =	sadd.s32 s4, s10  }
0x15: {  	s13 =	sadd.s32 s4, s13;
	s18 =	smul.u32 $0x50000, s1;
	s10 =	sshll.u32 s21, $0x7  }
0x16: {  	s8 =	sadd.s32 s4, s8;
	[dreg:$0x9] =	wrdreg s7;
	s7 =	sshll.u32 s9, $0x4  }
0x17: {  	s9 =	sshll.u32 s20, $0x7;
	[dreg:$0x5] =	wrdreg s8;
	s8 =	sadd.s32 s4, s24  }
0x18: {  	s7 =	sadd.s32 s4, s7;
	[dreg:$0x7] =	wrdreg s8;
	s8 =	sshll.u32 s25, $0x4  }
0x19: {  	s21 =	sadd.s32 s10, s2;
	[dreg:$0xb] =	wrdreg s7;
	s8 =	sadd.s32 s4, s8  }
0x1a: {  	s20 =	sadd.s32 s9, s2;
	s25 =	sshll.u32 s1, $0xB;
	[dreg:$0x8] =	wrdreg s8  }
0x1b: {  	s8 =	sadd.s32 s4, s26;
	s4 =	sadd.s32 s4, s15;
	s15 =	sshll.u32 s1, $0xE  }
0x1c: {  	s26 =	sshrl.u32 s18, $0x2;
	s18 =	sadd.s32 s6, s2;
	[dreg:$0xa] =	wrdreg s8  }
0x1d: {  	s7 =	sadd.s32 s15, s14;
	s14 =	sadd.s32 s16, s5;
	s5 =	sadd.s32 s25, s17  }
0x1e: {  	s8 =	sshll.u32 s19, $0x7;
	s11 =	sadd.s32 $0x50000, s4;
	s25 =	sadd.s32 $0x51800, s4  }
0x1f: {  	s23 =	sshrl.u32 s7, $0x3;
	_ =	strace $0x80000047;
	[dreg:$0xc] =	wrdreg s11  }
.Ltmp0:
0x20: {  	s7 =	sadd.s32 $0x2710000, s7;
	[dreg:$0xf] =	wrdreg s25;
	(pc) =	sbr.rel .LBB2_1-.Ltmp0, $4  }
0x21: {  	s15 =	sadd.s32 s23, s17;
	s24 =	sshrl.u32 s7, $0x3;
	s23 =	sadd.s32 $0x50800, s4  }
0x22: {  	s16 =	sadd.s32 s24, s17;
	[dreg:$0xd] =	wrdreg s23;
	s24 =	sadd.s32 $0x51000, s4  }
0x23: {  	s17 =	sadd.s32 s26, s2;
	s26 =	sadd.s32 $0x52000, s4;
	[dreg:$0xe] =	wrdreg s24  }
0x24: {  	v0 =	vimm.f32 $0.0e+00;
	s19 =	sadd.s32 s8, s2;
	s29 =	sadd.s32 $0x9C4000, s5;
	[dreg:$0x10] =	wrdreg s26  }
.LBB2_10:
0x25: {  	s5 =	simm.s32 @!p2 $0x0;
	s8 =	simm.s32 @!p2 $0x2;
	[sflag:s7] =	ssyncadd.s32 @!p1 $0xFFFFC000  }
0x26: {  	[tilespmem:s5], [sflag:$0x2] =	stream.linear.gather @!p2 [hbm4b:s6+s5], $0x80, $0x38;
	[tilespmem:$0x1C080] =	vst v63  }
0x27: {  	_ =	swait.ge @!p2 [sflag:s8], $0x80  }
0x28: {  	p1 =	por p2, p2;
	[sflag:s8] =	ssyncset.done @!p2 $0x0  }
0x29: {  	s6 =	simm.s32 @!p1 $0x80;
	[sflag:s8] =	ssyncadd.s32 @!p1 $0xFFFFFF80  }
0x2a: {  	[tilespmem:s6], [sflag:$0x2] =	stream.linear.gather @!p1 [hbm4b:s4+s5], $0x4000, $0x38;
	[tilespmem:$0x1C080] =	vst v63  }
0x2b: {  	_ =	swait.ge @!p1 [sflag:s8], $0x4000  }
0x2c: {  	[sflag:s8] =	ssyncset.done @!p1 $0x0  }
0x2d: {  	s4 =	simm.s32 @!p1 $0x1;
	[sflag:s8] =	ssyncadd.s32 @!p1 $0xFFFFC000  }
0x2e: {  	[spmem:s2] =	stream.indirect.scatter.add.f32 @!p1 [tilespmem:s6], [sflag:$0x1], $0x80, s5, s6, $0xb8;
	[tilespmem:$0x1C080] =	vst v63  }
0x2f: {  	_ =	swait.ge @!p1 [sflag:s4], $0x4000  }
0x30: {  	[sflag:s4] =	ssyncset.done @!p1 $0x0  }
0x31: {  	[sflag:s4] =	ssyncadd.s32 @!p1 $0xFFFFC000  }
0x32: {  	[bflag:$0x0] =	sbarrier.arrive $0xFFFF  }
0x33: {  	s11 =	rddreg [dreg:$0xc]  }
0x34: {  	[hbm:s11], [sflag:s0] =	dma.local [spmem:s22], $0x800  }
0x35: {  	_ =	swait.ge [sflag:s31], $0x800  }
0x36: {  	[sflag:s31] =	ssyncset.done $0x0  }
0x37: {  	s22 =	rddreg [dreg:$0xd];
	[sflag:s31] =	ssyncadd.s32 $0xFFFFF800  }
0x38: {  	[hbm:s22], [sflag:s0] =	dma.local [spmem:s23], $0x800  }
0x39: {  	_ =	swait.ge [sflag:s31], $0x800  }
0x3a: {  	[sflag:s31] =	ssyncset.done $0x0  }
0x3b: {  	s23 =	rddreg [dreg:$0xe];
	[sflag:s31] =	ssyncadd.s32 $0xFFFFF800  }
0x3c: {  	[hbm:s23], [sflag:s0] =	dma.local [spmem:s24], $0x800  }
0x3d: {  	_ =	swait.ge [sflag:s31], $0x800  }
0x3e: {  	[sflag:s31] =	ssyncset.done $0x0  }
0x3f: {  	s24 =	rddreg [dreg:$0xf];
	[sflag:s31] =	ssyncadd.s32 $0xFFFFF800  }
0x40: {  	[hbm:s24], [sflag:s0] =	dma.local [spmem:s25], $0x800  }
0x41: {  	_ =	swait.ge [sflag:s31], $0x800  }
0x42: {  	[sflag:s31] =	ssyncset.done $0x0  }
0x43: {  	s25 =	rddreg [dreg:$0x10];
	[sflag:s31] =	ssyncadd.s32 $0xFFFFF800  }
0x44: {  	[hbm:s25], [sflag:s0] =	dma.local [spmem:s26], $0x800  }
0x45: {  	_ =	swait.ge [sflag:s31], $0x800  }
0x46: {  	[sflag:s31] =	ssyncset.done $0x0  }
0x47: {  	[sflag:s31] =	ssyncadd.s32 $0xFFFFF800  }
0x48: {  	[bflag:$0x0] =	sbarrier.arrive $0xFFFF  }
.LBB2_11:
0x49: {  	s3 =	sadd.s32 $0x1, s3  }
0x4a: {  	p1 =	sne.s32 s3, s28  }
.Ltmp1:
0x4b: {  	_ = 	snop;
	(pc) =	sbr.rel @!p1 .LBB2_12-.Ltmp1, $1  }
0x4c: {  	_ =	sdelay $0x3  }
.LBB2_1:
0x4d: {  	s0 =	simm.s32 $0x0;
	s4 =	simm.s32 $0x200  }
.LBB2_2:
0x4e: {  	p1 =	sne.s32 s4, $0xFE00;
	[tilespmem:s0+$0x40F0] =	vst v0  }
0x4f: {  	[tilespmem:s0+$0x4080] =	vst v0  }
0x50: {  	[tilespmem:s0+$0x4090] =	vst v0  }
.Ltmp2:
0x51: {  	[tilespmem:s0+$0x40A0] =	vst v0;
	(pc) =	sbr.rel @p1 .LBB2_2-.Ltmp2, $4  }
0x52: {  	[tilespmem:s0+$0x40B0] =	vst v0  }
0x53: {  	[tilespmem:s0+$0x40C0] =	vst v0  }
0x54: {  	[tilespmem:s0+$0x40D0] =	vst v0  }
0x55: {  	[tilespmem:s0+$0x40E0] =	vst v0;
	s0 =	sshra.s32 s4, $0x2;
	s4 =	sadd.s32 $0x200, s4  }
0x56: {  	[tilespmem:s0+$0x40F0] =	vst v0  }
0x57: {  	[tilespmem:s0+$0x4080] =	vst v0  }
0x58: {  	[tilespmem:s0+$0x4090] =	vst v0  }
0x59: {  	[tilespmem:s0+$0x40A0] =	vst v0  }
0x5a: {  	[tilespmem:s0+$0x40B0] =	vst v0  }
0x5b: {  	[tilespmem:s0+$0x40C0] =	vst v0  }
0x5c: {  	[tilespmem:s0+$0x40D0] =	vst v0  }
0x5d: {  	[tilespmem:s0+$0x40E0] =	vst v0  }
0x5e: {  	[spmem:s17] =	stream.linear.scatter [tilespmem:s30], [sflag:$0x1], $0x4000, $0x38;
	[tilespmem:$0x1C080] =	vst v63  }
0x5f: {  	_ =	swait.ge [sflag:s31], $0x4000  }
0x60: {  	[sflag:s31] =	ssyncset.done $0x0  }
0x61: {  	[sflag:s31] =	ssyncadd.s32 $0xFFFFC000  }
0x62: {  	[spmem:s18] =	stream.linear.scatter [tilespmem:s30], [sflag:$0x1], $0x4000, $0x38;
	[tilespmem:$0x1C080] =	vst v63  }
0x63: {  	_ =	swait.ge [sflag:s31], $0x4000  }
0x64: {  	[sflag:s31] =	ssyncset.done $0x0  }
0x65: {  	[sflag:s31] =	ssyncadd.s32 $0xFFFFC000  }
0x66: {  	[spmem:s19] =	stream.linear.scatter [tilespmem:s30], [sflag:$0x1], $0x4000, $0x38;
	[tilespmem:$0x1C080] =	vst v63  }
0x67: {  	_ =	swait.ge [sflag:s31], $0x4000  }
0x68: {  	[sflag:s31] =	ssyncset.done $0x0  }
0x69: {  	[sflag:s31] =	ssyncadd.s32 $0xFFFFC000  }
0x6a: {  	[spmem:s20] =	stream.linear.scatter [tilespmem:s30], [sflag:$0x1], $0x4000, $0x38;
	[tilespmem:$0x1C080] =	vst v63  }
0x6b: {  	_ =	swait.ge [sflag:s31], $0x4000  }
0x6c: {  	[sflag:s31] =	ssyncset.done $0x0  }
0x6d: {  	[sflag:s31] =	ssyncadd.s32 $0xFFFFC000  }
0x6e: {  	[spmem:s21] =	stream.linear.scatter [tilespmem:s30], [sflag:$0x1], $0x4000, $0x38;
	[tilespmem:$0x1C080] =	vst v63  }
0x6f: {  	_ =	swait.ge [sflag:s31], $0x4000  }
0x70: {  	s25 =	sadd.s32 $0x0, s1;
	[sflag:s31] =	ssyncset.done $0x0  }
0x71: {  	p1 =	sgt.u32 s25, $0x9C3;
	[sflag:s31] =	ssyncadd.s32 $0xFFFFC000  }
0x72: {  	s0 =	simm.s32 @!p1 $0x0;
	s5 =	simm.s32 @!p1 $0x2;
	[bflag:$0x0] =	sbarrier.arrive $0xFFFF  }
0x73: {  	[tilespmem:s0], [sflag:$0x2] =	stream.linear.gather @!p1 [hbm4b:s14+s0], $0x80, $0x38;
	[tilespmem:$0x1C080] =	vst v63  }
0x74: {  	_ =	swait.ge @!p1 [sflag:s5], $0x80  }
0x75: {  	[sflag:s5] =	ssyncset.done @!p1 $0x0;
	p1 =	por p1, p1  }
0x76: {  	[sflag:s5] =	ssyncadd.s32 @!p1 $0xFFFFFF80;
	s7 =	simm.s32 @!p1 $0x80  }
0x77: {  	[tilespmem:s7], [sflag:$0x2] =	stream.linear.gather @!p1 [hbm4b:s15+s0], $0x4000, $0x38;
	[tilespmem:$0x1C080] =	vst v63  }
0x78: {  	_ =	swait.ge @!p1 [sflag:s5], $0x4000  }
0x79: {  	[sflag:s5] =	ssyncset.done @!p1 $0x0  }
0x7a: {  	s26 =	sadd.s32 $0x10, s1;
	s6 =	simm.s32 @!p1 $0x1;
	[sflag:s5] =	ssyncadd.s32 @!p1 $0xFFFFC000  }
0x7b: {  	[spmem:s2] =	stream.indirect.scatter.add.f32 @!p1 [tilespmem:s7], [sflag:$0x1], $0x80, s0, s7, $0xb8;
	[tilespmem:$0x1C080] =	vst v63  }
0x7c: {  	s4 =	simm.s32 $0x20;
	p2 =	sgt.u32 s26, $0x9C3;
	_ =	swait.ge @!p1 [sflag:s6], $0x4000  }
0x7d: {  	s5 =	sadd.s32 $0x100, s14;
	s0 =	sadd.s32 $0x8000, s15;
	[sflag:s6] =	ssyncset.done @!p1 $0x0  }
.LBB2_4:
0x7e: {  	s7 =	simm.s32 @!p2 $0x0;
	s22 =	simm.s32 @!p2 $0x2;
	[sflag:s6] =	ssyncadd.s32 @!p1 $0xFFFFC000  }
0x7f: {  	[tilespmem:s7], [sflag:$0x2] =	stream.linear.gather @!p2 [hbm4b:s5+s7], $0x80, $0x38;
	[tilespmem:$0x1C080] =	vst v63  }
0x80: {  	s23 =	smov.u32 s4;
	s4 =	sadd.s32 $0x10, s4;
	_ =	swait.ge @!p2 [sflag:s22], $0x80  }
0x81: {  	p1 =	por p2, p2;
	p3 =	sne.s32 s4, $0x9D0;
	[sflag:s22] =	ssyncset.done @!p2 $0x0  }
0x82: {  	s24 =	simm.s32 @!p1 $0x80;
	[sflag:s22] =	ssyncadd.s32 @!p1 $0xFFFFFF80  }
0x83: {  	[tilespmem:s24], [sflag:$0x2] =	stream.linear.gather @!p1 [hbm4b:s0+s7], $0x4000, $0x38;
	[tilespmem:$0x1C080] =	vst v63  }
0x84: {  	_ =	swait.ge @!p1 [sflag:s22], $0x4000  }
.Ltmp3:
0x85: {  	[sflag:s22] =	ssyncset.done @!p1 $0x0;
	(pc) =	sbr.rel @p3 .LBB2_4-.Ltmp3, $4  }
0x86: {  	s6 =	simm.s32 @!p1 $0x1;
	[sflag:s22] =	ssyncadd.s32 @!p1 $0xFFFFC000  }
0x87: {  	[spmem:s2] =	stream.indirect.scatter.add.f32 @!p1 [tilespmem:s24], [sflag:$0x1], $0x80, s7, s24, $0xb8;
	[tilespmem:$0x1C080] =	vst v63  }
0x88: {  	s0 =	sadd.s32 $0x8000, s0;
	s7 =	sadd.s32 s23, s1;
	_ =	swait.ge @!p1 [sflag:s6], $0x4000  }
0x89: {  	s5 =	sadd.s32 $0x100, s5;
	p2 =	sgt.u32 s7, $0x9C3;
	[sflag:s6] =	ssyncset.done @!p1 $0x0  }
0x8a: {  	s4 =	simm.s32 @!p2 $0x0;
	s7 =	simm.s32 @!p2 $0x2;
	[sflag:s6] =	ssyncadd.s32 @!p1 $0xFFFFC000  }
0x8b: {  	[tilespmem:s4], [sflag:$0x2] =	stream.linear.gather @!p2 [hbm4b:s5+s4], $0x80, $0x38;
	[tilespmem:$0x1C080] =	vst v63  }
0x8c: {  	_ =	swait.ge @!p2 [sflag:s7], $0x80  }
0x8d: {  	p1 =	por p2, p2;
	[sflag:s7] =	ssyncset.done @!p2 $0x0  }
0x8e: {  	s5 =	simm.s32 @!p1 $0x80;
	[sflag:s7] =	ssyncadd.s32 @!p1 $0xFFFFFF80  }
0x8f: {  	[tilespmem:s5], [sflag:$0x2] =	stream.linear.gather @!p1 [hbm4b:s0+s4], $0x4000, $0x38;
	[tilespmem:$0x1C080] =	vst v63  }
0x90: {  	_ =	swait.ge @!p1 [sflag:s7], $0x4000  }
0x91: {  	[sflag:s7] =	ssyncset.done @!p1 $0x0  }
0x92: {  	s0 =	simm.s32 @!p1 $0x1;
	[sflag:s7] =	ssyncadd.s32 @!p1 $0xFFFFC000  }
0x93: {  	[spmem:s2] =	stream.indirect.scatter.add.f32 @!p1 [tilespmem:s5], [sflag:$0x1], $0x80, s4, s5, $0xb8;
	[tilespmem:$0x1C080] =	vst v63  }
0x94: {  	_ =	swait.ge @!p1 [sflag:s0], $0x4000  }
0x95: {  	[sflag:s0] =	ssyncset.done @!p1 $0x0  }
0x96: {  	[sflag:s0] =	ssyncadd.s32 @!p1 $0xFFFFC000  }
0x97: {  	s4 =	sshll.u32 s1, $0x6;
	[bflag:$0x0] =	sbarrier.arrive $0xFFFF  }
0x98: {  	s22 =	sshrl.u32 s17, $0x3;
	s0 =	sor.u32 $0x1C01, s4;
	s5 =	rddreg [dreg:$0x4]  }
0x99: {  	[hbm:s5], [sflag:s0] =	dma.local [spmem:s22], $0x800  }
0x9a: {  	_ =	swait.ge [sflag:s31], $0x800  }
0x9b: {  	[sflag:s31] =	ssyncset.done $0x0  }
0x9c: {  	s23 =	sshrl.u32 s18, $0x3;
	s6 =	rddreg [dreg:$0x5];
	[sflag:s31] =	ssyncadd.s32 $0xFFFFF800  }
0x9d: {  	[hbm:s6], [sflag:s0] =	dma.local [spmem:s23], $0x800  }
0x9e: {  	_ =	swait.ge [sflag:s31], $0x800  }
0x9f: {  	[sflag:s31] =	ssyncset.done $0x0  }
0xa0: {  	s24 =	sshrl.u32 s19, $0x3;
	s7 =	rddreg [dreg:$0x6];
	[sflag:s31] =	ssyncadd.s32 $0xFFFFF800  }
0xa1: {  	[hbm:s7], [sflag:s0] =	dma.local [spmem:s24], $0x800  }
0xa2: {  	_ =	swait.ge [sflag:s31], $0x800  }
0xa3: {  	[sflag:s31] =	ssyncset.done $0x0  }
0xa4: {  	s25 =	sshrl.u32 s20, $0x3;
	s8 =	rddreg [dreg:$0x7];
	[sflag:s31] =	ssyncadd.s32 $0xFFFFF800  }
0xa5: {  	[hbm:s8], [sflag:s0] =	dma.local [spmem:s25], $0x800  }
0xa6: {  	_ =	swait.ge [sflag:s31], $0x800  }
0xa7: {  	[sflag:s31] =	ssyncset.done $0x0  }
0xa8: {  	s26 =	sshrl.u32 s21, $0x3;
	s9 =	rddreg [dreg:$0x8];
	[sflag:s31] =	ssyncadd.s32 $0xFFFFF800  }
0xa9: {  	[hbm:s9], [sflag:s0] =	dma.local [spmem:s26], $0x800  }
0xaa: {  	_ =	swait.ge [sflag:s31], $0x800  }
0xab: {  	[sflag:s31] =	ssyncset.done $0x0  }
0xac: {  	[sflag:s31] =	ssyncadd.s32 $0xFFFFF800  }
0xad: {  	[bflag:$0x0] =	sbarrier.arrive $0xFFFF  }
0xae: {  	[spmem:s17] =	stream.linear.scatter [tilespmem:s30], [sflag:$0x1], $0x4000, $0x38;
	[tilespmem:$0x1C080] =	vst v63  }
0xaf: {  	_ =	swait.ge [sflag:s31], $0x4000  }
0xb0: {  	[sflag:s31] =	ssyncset.done $0x0  }
0xb1: {  	[sflag:s31] =	ssyncadd.s32 $0xFFFFC000  }
0xb2: {  	[spmem:s18] =	stream.linear.scatter [tilespmem:s30], [sflag:$0x1], $0x4000, $0x38;
	[tilespmem:$0x1C080] =	vst v63  }
0xb3: {  	_ =	swait.ge [sflag:s31], $0x4000  }
0xb4: {  	[sflag:s31] =	ssyncset.done $0x0  }
0xb5: {  	[sflag:s31] =	ssyncadd.s32 $0xFFFFC000  }
0xb6: {  	[spmem:s19] =	stream.linear.scatter [tilespmem:s30], [sflag:$0x1], $0x4000, $0x38;
	[tilespmem:$0x1C080] =	vst v63  }
0xb7: {  	_ =	swait.ge [sflag:s31], $0x4000  }
0xb8: {  	[sflag:s31] =	ssyncset.done $0x0  }
0xb9: {  	[sflag:s31] =	ssyncadd.s32 $0xFFFFC000  }
0xba: {  	[spmem:s20] =	stream.linear.scatter [tilespmem:s30], [sflag:$0x1], $0x4000, $0x38;
	[tilespmem:$0x1C080] =	vst v63  }
0xbb: {  	_ =	swait.ge [sflag:s31], $0x4000  }
0xbc: {  	[sflag:s31] =	ssyncset.done $0x0  }
0xbd: {  	[sflag:s31] =	ssyncadd.s32 $0xFFFFC000  }
0xbe: {  	[spmem:s21] =	stream.linear.scatter [tilespmem:s30], [sflag:$0x1], $0x4000, $0x38;
	[tilespmem:$0x1C080] =	vst v63  }
0xbf: {  	_ =	swait.ge [sflag:s31], $0x4000  }
0xc0: {  	s10 =	sadd.s32 $0x0, s1;
	[sflag:s31] =	ssyncset.done $0x0  }
0xc1: {  	p1 =	sgt.u32 s10, $0x9C3;
	[sflag:s31] =	ssyncadd.s32 $0xFFFFC000  }
0xc2: {  	s4 =	simm.s32 @!p1 $0x0;
	s6 =	simm.s32 @!p1 $0x2;
	[bflag:$0x0] =	sbarrier.arrive $0xFFFF  }
0xc3: {  	[tilespmem:s4], [sflag:$0x2] =	stream.linear.gather @!p1 [hbm4b:s14+s4], $0x80, $0x38;
	[tilespmem:$0x1C080] =	vst v63  }
0xc4: {  	_ =	swait.ge @!p1 [sflag:s6], $0x80  }
0xc5: {  	[sflag:s6] =	ssyncset.done @!p1 $0x0;
	p1 =	por p1, p1  }
0xc6: {  	[sflag:s6] =	ssyncadd.s32 @!p1 $0xFFFFFF80;
	s8 =	simm.s32 @!p1 $0x80  }
0xc7: {  	[tilespmem:s8], [sflag:$0x2] =	stream.linear.gather @!p1 [hbm4b:s16+s4], $0x4000, $0x38;
	[tilespmem:$0x1C080] =	vst v63  }
0xc8: {  	_ =	swait.ge @!p1 [sflag:s6], $0x4000  }
0xc9: {  	[sflag:s6] =	ssyncset.done @!p1 $0x0  }
0xca: {  	s11 =	sadd.s32 $0x10, s1;
	s7 =	simm.s32 @!p1 $0x1;
	[sflag:s6] =	ssyncadd.s32 @!p1 $0xFFFFC000  }
0xcb: {  	[spmem:s2] =	stream.indirect.scatter.add.f32 @!p1 [tilespmem:s8], [sflag:$0x1], $0x80, s4, s8, $0xb8;
	[tilespmem:$0x1C080] =	vst v63  }
0xcc: {  	p2 =	sgt.u32 s11, $0x9C3;
	s5 =	simm.s32 $0x20;
	_ =	swait.ge @!p1 [sflag:s7], $0x4000  }
0xcd: {  	s6 =	sadd.s32 $0x100, s14;
	s4 =	sadd.s32 $0x8000, s16;
	[sflag:s7] =	ssyncset.done @!p1 $0x0  }
.LBB2_6:
0xce: {  	s8 =	simm.s32 @!p2 $0x0;
	s9 =	simm.s32 @!p2 $0x2;
	[sflag:s7] =	ssyncadd.s32 @!p1 $0xFFFFC000  }
0xcf: {  	[tilespmem:s8], [sflag:$0x2] =	stream.linear.gather @!p2 [hbm4b:s6+s8], $0x80, $0x38;
	[tilespmem:$0x1C080] =	vst v63  }
0xd0: {  	s10 =	smov.u32 s5;
	s5 =	sadd.s32 $0x10, s5;
	_ =	swait.ge @!p2 [sflag:s9], $0x80  }
0xd1: {  	p1 =	por p2, p2;
	p3 =	sne.s32 s5, $0x9D0;
	[sflag:s9] =	ssyncset.done @!p2 $0x0  }
0xd2: {  	s11 =	simm.s32 @!p1 $0x80;
	[sflag:s9] =	ssyncadd.s32 @!p1 $0xFFFFFF80  }
0xd3: {  	[tilespmem:s11], [sflag:$0x2] =	stream.linear.gather @!p1 [hbm4b:s4+s8], $0x4000, $0x38;
	[tilespmem:$0x1C080] =	vst v63  }
0xd4: {  	_ =	swait.ge @!p1 [sflag:s9], $0x4000  }
.Ltmp4:
0xd5: {  	[sflag:s9] =	ssyncset.done @!p1 $0x0;
	(pc) =	sbr.rel @p3 .LBB2_6-.Ltmp4, $4  }
0xd6: {  	s7 =	simm.s32 @!p1 $0x1;
	[sflag:s9] =	ssyncadd.s32 @!p1 $0xFFFFC000  }
0xd7: {  	[spmem:s2] =	stream.indirect.scatter.add.f32 @!p1 [tilespmem:s11], [sflag:$0x1], $0x80, s8, s11, $0xb8;
	[tilespmem:$0x1C080] =	vst v63  }
0xd8: {  	s4 =	sadd.s32 $0x8000, s4;
	s8 =	sadd.s32 s10, s1;
	_ =	swait.ge @!p1 [sflag:s7], $0x4000  }
0xd9: {  	s6 =	sadd.s32 $0x100, s6;
	p2 =	sgt.u32 s8, $0x9C3;
	[sflag:s7] =	ssyncset.done @!p1 $0x0  }
0xda: {  	s5 =	simm.s32 @!p2 $0x0;
	s8 =	simm.s32 @!p2 $0x2;
	[sflag:s7] =	ssyncadd.s32 @!p1 $0xFFFFC000  }
0xdb: {  	[tilespmem:s5], [sflag:$0x2] =	stream.linear.gather @!p2 [hbm4b:s6+s5], $0x80, $0x38;
	[tilespmem:$0x1C080] =	vst v63  }
0xdc: {  	_ =	swait.ge @!p2 [sflag:s8], $0x80  }
0xdd: {  	p1 =	por p2, p2;
	[sflag:s8] =	ssyncset.done @!p2 $0x0  }
0xde: {  	s6 =	simm.s32 @!p1 $0x80;
	[sflag:s8] =	ssyncadd.s32 @!p1 $0xFFFFFF80  }
0xdf: {  	[tilespmem:s6], [sflag:$0x2] =	stream.linear.gather @!p1 [hbm4b:s4+s5], $0x4000, $0x38;
	[tilespmem:$0x1C080] =	vst v63  }
0xe0: {  	_ =	swait.ge @!p1 [sflag:s8], $0x4000  }
0xe1: {  	[sflag:s8] =	ssyncset.done @!p1 $0x0  }
0xe2: {  	s4 =	simm.s32 @!p1 $0x1;
	[sflag:s8] =	ssyncadd.s32 @!p1 $0xFFFFC000  }
0xe3: {  	[spmem:s2] =	stream.indirect.scatter.add.f32 @!p1 [tilespmem:s6], [sflag:$0x1], $0x80, s5, s6, $0xb8;
	[tilespmem:$0x1C080] =	vst v63  }
0xe4: {  	_ =	swait.ge @!p1 [sflag:s4], $0x4000  }
0xe5: {  	[sflag:s4] =	ssyncset.done @!p1 $0x0  }
0xe6: {  	[sflag:s4] =	ssyncadd.s32 @!p1 $0xFFFFC000  }
0xe7: {  	[bflag:$0x0] =	sbarrier.arrive $0xFFFF  }
0xe8: {  	s9 =	rddreg [dreg:$0x9]  }
0xe9: {  	[hbm:s9], [sflag:s0] =	dma.local [spmem:s22], $0x800  }
0xea: {  	_ =	swait.ge [sflag:s31], $0x800  }
0xeb: {  	[sflag:s31] =	ssyncset.done $0x0  }
0xec: {  	s10 =	rddreg [dreg:$0xa];
	[sflag:s31] =	ssyncadd.s32 $0xFFFFF800  }
0xed: {  	[hbm:s10], [sflag:s0] =	dma.local [spmem:s23], $0x800  }
0xee: {  	_ =	swait.ge [sflag:s31], $0x800  }
0xef: {  	[sflag:s31] =	ssyncset.done $0x0  }
0xf0: {  	s11 =	rddreg [dreg:$0xb];
	[sflag:s31] =	ssyncadd.s32 $0xFFFFF800  }
0xf1: {  	[hbm:s11], [sflag:s0] =	dma.local [spmem:s24], $0x800  }
0xf2: {  	_ =	swait.ge [sflag:s31], $0x800  }
0xf3: {  	[sflag:s31] =	ssyncset.done $0x0  }
0xf4: {  	[sflag:s31] =	ssyncadd.s32 $0xFFFFF800  }
0xf5: {  	[hbm:s12], [sflag:s0] =	dma.local [spmem:s25], $0x800  }
0xf6: {  	_ =	swait.ge [sflag:s31], $0x800  }
0xf7: {  	[sflag:s31] =	ssyncset.done $0x0  }
0xf8: {  	[sflag:s31] =	ssyncadd.s32 $0xFFFFF800  }
0xf9: {  	[hbm:s13], [sflag:s0] =	dma.local [spmem:s26], $0x800  }
.Ltmp5:
0xfa: {  	_ =	swait.ge [sflag:s31], $0x800;
	(pc) =	sbr.rel @p0 .LBB2_11-.Ltmp5, $3  }
0xfb: {  	[sflag:s31] =	ssyncset.done $0x0  }
0xfc: {  	[sflag:s31] =	ssyncadd.s32 $0xFFFFF800  }
0xfd: {  	[bflag:$0x0] =	sbarrier.arrive $0xFFFF;
	_ =	sdelay $0x1  }
0xfe: {  	[spmem:s17] =	stream.linear.scatter [tilespmem:s30], [sflag:$0x1], $0x4000, $0x38;
	[tilespmem:$0x1C080] =	vst v63  }
0xff: {  	_ =	swait.ge [sflag:s31], $0x4000  }
0x100: {  	[sflag:s31] =	ssyncset.done $0x0  }
0x101: {  	[sflag:s31] =	ssyncadd.s32 $0xFFFFC000  }
0x102: {  	[spmem:s18] =	stream.linear.scatter [tilespmem:s30], [sflag:$0x1], $0x4000, $0x38;
	[tilespmem:$0x1C080] =	vst v63  }
0x103: {  	_ =	swait.ge [sflag:s31], $0x4000  }
0x104: {  	[sflag:s31] =	ssyncset.done $0x0  }
0x105: {  	[sflag:s31] =	ssyncadd.s32 $0xFFFFC000  }
0x106: {  	[spmem:s19] =	stream.linear.scatter [tilespmem:s30], [sflag:$0x1], $0x4000, $0x38;
	[tilespmem:$0x1C080] =	vst v63  }
0x107: {  	_ =	swait.ge [sflag:s31], $0x4000  }
0x108: {  	[sflag:s31] =	ssyncset.done $0x0  }
0x109: {  	[sflag:s31] =	ssyncadd.s32 $0xFFFFC000  }
0x10a: {  	[spmem:s20] =	stream.linear.scatter [tilespmem:s30], [sflag:$0x1], $0x4000, $0x38;
	[tilespmem:$0x1C080] =	vst v63  }
0x10b: {  	_ =	swait.ge [sflag:s31], $0x4000  }
0x10c: {  	[sflag:s31] =	ssyncset.done $0x0  }
0x10d: {  	[sflag:s31] =	ssyncadd.s32 $0xFFFFC000  }
0x10e: {  	[spmem:s21] =	stream.linear.scatter [tilespmem:s30], [sflag:$0x1], $0x4000, $0x38;
	[tilespmem:$0x1C080] =	vst v63  }
0x10f: {  	_ =	swait.ge [sflag:s31], $0x4000  }
0x110: {  	s4 =	sadd.s32 $0x0, s1;
	[sflag:s31] =	ssyncset.done $0x0  }
0x111: {  	p1 =	sgt.u32 s4, $0x9C3;
	[sflag:s31] =	ssyncadd.s32 $0xFFFFC000  }
0x112: {  	s4 =	simm.s32 @!p1 $0x0;
	s6 =	simm.s32 @!p1 $0x2;
	[bflag:$0x0] =	sbarrier.arrive $0xFFFF  }
0x113: {  	[tilespmem:s4], [sflag:$0x2] =	stream.linear.gather @!p1 [hbm4b:s14+s4], $0x80, $0x38;
	[tilespmem:$0x1C080] =	vst v63  }
0x114: {  	_ =	swait.ge @!p1 [sflag:s6], $0x80  }
0x115: {  	[sflag:s6] =	ssyncset.done @!p1 $0x0;
	p1 =	por p1, p1  }
0x116: {  	[sflag:s6] =	ssyncadd.s32 @!p1 $0xFFFFFF80;
	s8 =	simm.s32 @!p1 $0x80  }
0x117: {  	[tilespmem:s8], [sflag:$0x2] =	stream.linear.gather @!p1 [hbm4b:s29+s4], $0x4000, $0x38;
	[tilespmem:$0x1C080] =	vst v63  }
0x118: {  	_ =	swait.ge @!p1 [sflag:s6], $0x4000  }
0x119: {  	[sflag:s6] =	ssyncset.done @!p1 $0x0  }
0x11a: {  	s11 =	sadd.s32 $0x10, s1;
	s7 =	simm.s32 @!p1 $0x1;
	[sflag:s6] =	ssyncadd.s32 @!p1 $0xFFFFC000  }
0x11b: {  	[spmem:s2] =	stream.indirect.scatter.add.f32 @!p1 [tilespmem:s8], [sflag:$0x1], $0x80, s4, s8, $0xb8;
	[tilespmem:$0x1C080] =	vst v63  }
0x11c: {  	s5 =	simm.s32 $0x20;
	p2 =	sgt.u32 s11, $0x9C3;
	_ =	swait.ge @!p1 [sflag:s7], $0x4000  }
0x11d: {  	s6 =	sadd.s32 $0x100, s14;
	s4 =	sadd.s32 $0x8000, s29;
	[sflag:s7] =	ssyncset.done @!p1 $0x0  }
.LBB2_9:
0x11e: {  	s8 =	simm.s32 @!p2 $0x0;
	s9 =	simm.s32 @!p2 $0x2;
	[sflag:s7] =	ssyncadd.s32 @!p1 $0xFFFFC000  }
0x11f: {  	[tilespmem:s8], [sflag:$0x2] =	stream.linear.gather @!p2 [hbm4b:s6+s8], $0x80, $0x38;
	[tilespmem:$0x1C080] =	vst v63  }
0x120: {  	s10 =	smov.u32 s5;
	s5 =	sadd.s32 $0x10, s5;
	_ =	swait.ge @!p2 [sflag:s9], $0x80  }
0x121: {  	p1 =	por p2, p2;
	p3 =	sne.s32 s5, $0x9D0;
	[sflag:s9] =	ssyncset.done @!p2 $0x0  }
0x122: {  	s11 =	simm.s32 @!p1 $0x80;
	[sflag:s9] =	ssyncadd.s32 @!p1 $0xFFFFFF80  }
0x123: {  	[tilespmem:s11], [sflag:$0x2] =	stream.linear.gather @!p1 [hbm4b:s4+s8], $0x4000, $0x38;
	[tilespmem:$0x1C080] =	vst v63  }
0x124: {  	_ =	swait.ge @!p1 [sflag:s9], $0x4000  }
.Ltmp6:
0x125: {  	[sflag:s9] =	ssyncset.done @!p1 $0x0;
	(pc) =	sbr.rel @p3 .LBB2_9-.Ltmp6, $4  }
0x126: {  	s7 =	simm.s32 @!p1 $0x1;
	[sflag:s9] =	ssyncadd.s32 @!p1 $0xFFFFC000  }
0x127: {  	[spmem:s2] =	stream.indirect.scatter.add.f32 @!p1 [tilespmem:s11], [sflag:$0x1], $0x80, s8, s11, $0xb8;
	[tilespmem:$0x1C080] =	vst v63  }
0x128: {  	s4 =	sadd.s32 $0x8000, s4;
	s8 =	sadd.s32 s10, s1;
	_ =	swait.ge @!p1 [sflag:s7], $0x4000  }
0x129: {  	s6 =	sadd.s32 $0x100, s6;
	p2 =	sgt.u32 s8, $0x9C3;
	[sflag:s7] =	ssyncset.done @!p1 $0x0  }
.Ltmp7:
0x12a: {  	_ = 	snop;
	(pc) =	sbr.rel .LBB2_10-.Ltmp7, $1  }
0x12b: {  	_ =	sdelay $0x3  }
.LBB2_12:
0x12c: {  	_ =	sfence.sel $0x180000  }
0x12d: {  	[bflag:$0x0] =	sbarrier.arrive $0xFFFF  }
0x12e: {  	_ =	strace $0x90000047  }
0x12f: {  	[bflag:$0x2] =	sbarrier.arrive $0xFFFF  }
0x130: {  	p0 =	sne.s32 s1, $0x0;
	s0 =	rddreg [dreg:$0x3]  }
0x131: {  	s0 =	sadd.s32 @!p0 $0x100000, s0  }
0x132: {  	[sflag:s0] =	ssyncadd.tile.s32 @!p0 $0x1;
	_ =	shalt  }
.Lfunc_end2:
_tile_overlayer_lowered:
.L_overlay_start_2:
0x133: {  	(tag) =	ssettag $0x2  }
0x134: {  	s0 =	rddreg [dreg:$0x0];
	s2 =	stileid.u32  }
0x135: {  	s1 =	rddreg [dreg:$0x1];
	p0 =	sne.s32 s2, $0x0  }
0x136: {  	s3 =	rddreg [dreg:$0x2];
	[bflag:$0x3] =	sbarrier.arrive $0xFFFF;
	s2 =	simm.s32 @!p0 $0x1C01  }
0x137: {  	[timem:s3], [sflag:s2] =	dma.local @!p0 [hbm:s0], s1  }
0x138: {  	s0 =	simm.s32 @!p0 $0x1  }
0x139: {  	_ =	swait.ge @!p0 [sflag:s0], s1  }
0x13a: {  	s1 =	ssub.s32 @!p0 $0x0, s1;
	[sflag:s0] =	ssyncset.done @!p0 $0x0  }
0x13b: {  	[sflag:s0] =	ssyncadd.s32 @!p0 s1  }
0x13c: {  	[bflag:$0x3] =	sbarrier.arrive $0xFFFF  }
0x13d: {  	_ =	shalt  }

</sc_bundles>
